<compile_context>
chip_gen: v7x
topology: tpu7x:2x2x1
jax: 0.10.2.dev20260603
libtpu: 0.0.44.dev20260713+nightly
codegen_flags: <defaults>
</compile_context>

<pallas_src>
import functools

import jax
import jax.numpy as jnp
import numpy as np
from jax import lax
from jax.experimental import pallas as pl
from jax.experimental.pallas import tpu as pltpu
from jax.experimental.pallas import tpu_sc as plsc

N = 5000
NPAD = 5120
NCLS = 21
CHUNKS = NPAD // 16
NEG_INF = np.float32(-np.inf)


def _prep_body(conf_ref, lx_ref, ly_ref, tb_ref,
               ms_ref, x1_ref, y1_ref, x2_ref, y2_ref, ar_ref, mk_ref):
  conf = conf_ref[...]
  lx = lx_ref[...]
  ly = ly_ref[...]
  t0 = tb_ref[0:1, 0:1]
  t1 = tb_ref[0:1, 1:2]
  t2 = tb_ref[0:1, 2:3]
  t3 = tb_ref[0:1, 3:4]
  cmax = jnp.max(conf, axis=0, keepdims=True)
  mask = cmax > np.float32(0.5)
  score = conf[0:1, :]
  ms_ref[...] = jnp.where(mask, score, NEG_INF)
  x1 = t0 * lx
  y1 = t1 * ly
  x2 = t2 * lx
  y2 = t3 * ly
  x1_ref[...] = x1
  y1_ref[...] = y1
  x2_ref[...] = x2
  y2_ref[...] = y2
  ar_ref[...] = (x2 - x1) * (y2 - y1)
  mk_ref[...] = mask.astype(jnp.float32)


_prep = pl.pallas_call(
    _prep_body,
    out_shape=[jax.ShapeDtypeStruct((1, NPAD), jnp.float32)] * 7,
)


P = NPAD // 16
CH_T = P // 16


@functools.lru_cache(maxsize=None)
def _make_sc_nms():
  mesh = plsc.VectorSubcoreMesh(
      core_axis_name="c", subcore_axis_name="s", num_cores=2,
      num_subcores=16)
  return functools.partial(
      pl.kernel,
      out_type=jax.ShapeDtypeStruct((NPAD,), jnp.float32),
      mesh=mesh,
      scratch_types=[pltpu.VMEM((NPAD,), jnp.float32) for _ in range(5)]
      + [pltpu.VMEM((P,), jnp.float32), pltpu.VMEM((P,), jnp.float32),
         pltpu.VMEM((16,), jnp.float32), pltpu.VMEM((128,), jnp.float32),
         pltpu.VMEM((128,), jnp.float32),
         pltpu.VMEM_SHARED((256,), jnp.float32),
         pltpu.VMEM((P + 16,), jnp.int32)]
      + [pltpu.VMEM((P + 16,), jnp.float32) for _ in range(6)],
      compiler_params=pltpu.CompilerParams(needs_layout_passes=False),
  )(_sc_nms_body)


def _sc_nms_body(ms_hbm, x1_hbm, y1_hbm, x2_hbm, y2_hbm, ar_hbm, kept_hbm,
                 x1_v, y1_v, x2_v, y2_v, ar_v,
                 msl_v, keptl_v, pub_v, rd_v, acc_v, shared_v,
                 gx_p, sc_p, x1_p, y1_p, x2_p, y2_p, ar_p):
  cid = lax.axis_index("c")
  sid = lax.axis_index("s")
  base = sid * P

  lanes = lax.iota(jnp.int32, 16)
  zero16 = jnp.zeros((16,), jnp.float32)
  izero16 = jnp.zeros((16,), jnp.int32)
  ones16 = jnp.ones((16,), jnp.float32)
  false16 = jnp.zeros((16,), jnp.bool_)
  neg16 = jnp.full((16,), NEG_INF)
  big = np.int32(1 << 30)
  bigv = jnp.full((16,), big, jnp.int32)
  lane0 = lanes == 0
  lane1 = lanes == 1
  lane2 = lanes == 2
  lane3 = lanes == 3

  pltpu.sync_copy(x1_hbm, x1_v)
  pltpu.sync_copy(y1_hbm, y1_v)
  pltpu.sync_copy(x2_hbm, x2_v)
  pltpu.sync_copy(y2_hbm, y2_v)
  pltpu.sync_copy(ar_hbm, ar_v)
  pltpu.sync_copy(ms_hbm.at[pl.ds(base, P)], msl_v)

  def zero_body(j, carry):
    keptl_v[pl.ds(j * 16, 16)] = zero16
    return carry

  lax.fori_loop(0, CH_T, zero_body, 0)

  def extract_top2(rm1, ri1, rm2, ri2):
    s1 = jnp.max(rm1)
    i1 = jnp.min(jnp.where(rm1 == s1, ri1, bigv))
    wl = (rm1 == s1) & (ri1 == i1)
    rm1b = jnp.where(wl, rm2, rm1)
    ri1b = jnp.where(wl, ri2, ri1)
    s2 = jnp.max(rm1b)
    i2 = jnp.min(jnp.where(rm1b == s2, ri1b, bigv))
    return s1, i1, s2, i2

  def top2_update(carry, c, gi):
    rm1, ri1, rm2, ri2 = carry
    gt1 = c > rm1
    gt2 = c > rm2
    rm2n = jnp.where(gt1, rm1, jnp.where(gt2, c, rm2))
    ri2n = jnp.where(gt1, ri1, jnp.where(gt2, gi, ri2))
    rm1n = jnp.where(gt1, c, rm1)
    ri1n = jnp.where(gt1, gi, ri1)
    return rm1n, ri1n, rm2n, ri2n

  def publish_read(par, s1, i1, s2, i2):
    i1f = plsc.bitcast(jnp.full((16,), i1, jnp.int32), jnp.float32)
    i2f = plsc.bitcast(jnp.full((16,), i2, jnp.int32), jnp.float32)
    vec = jnp.where(lane0, jnp.full((16,), s1, jnp.float32),
                    jnp.where(lane1, i1f,
                              jnp.where(lane2,
                                        jnp.full((16,), s2, jnp.float32),
                                        jnp.where(lane3, i2f, zero16))))
    pub_v[...] = vec
    pltpu.sync_copy(pub_v.at[pl.ds(0, 8)],
                    shared_v.at[pl.ds(par * 128 + 8 * sid, 8)])
    plsc.subcore_barrier()
    pltpu.sync_copy(shared_v.at[pl.ds(par * 128, 128)], rd_v)
    s1s = plsc.load_gather(rd_v, [lanes * 8])
    i1s = plsc.bitcast(plsc.load_gather(rd_v, [lanes * 8 + 1]), jnp.int32)
    s2s = plsc.load_gather(rd_v, [lanes * 8 + 2])
    i2s = plsc.bitcast(plsc.load_gather(rd_v, [lanes * 8 + 3]), jnp.int32)
    return s1s, i1s, s2s, i2s

  def init_pack(j, carry):
    woff, rm1, ri1, rm2, ri2 = carry
    al = msl_v[pl.ds(j * 16, 16)]
    gb = base + j * 16
    gx = gb + lanes
    keep = al > NEG_INF
    dst = pl.ds(woff, 16)
    plsc.store_compressed(gx_p.at[dst], gx, mask=keep)
    plsc.store_compressed(sc_p.at[dst], al, mask=keep)
    plsc.store_compressed(x1_p.at[dst], x1_v[pl.ds(gb, 16)], mask=keep)
    plsc.store_compressed(y1_p.at[dst], y1_v[pl.ds(gb, 16)], mask=keep)
    plsc.store_compressed(x2_p.at[dst], x2_v[pl.ds(gb, 16)], mask=keep)
    plsc.store_compressed(y2_p.at[dst], y2_v[pl.ds(gb, 16)], mask=keep)
    plsc.store_compressed(ar_p.at[dst], ar_v[pl.ds(gb, 16)], mask=keep)
    cntc = jnp.max(plsc.all_reduce_population_count(keep))
    carry2 = top2_update((rm1, ri1, rm2, ri2),
                         jnp.where(keep, al, neg16), gx)
    return (woff + cntc,) + carry2

  woff, rm1, ri1, rm2, ri2 = lax.fori_loop(
      0, CH_T, init_pack,
      (np.int32(0), neg16, izero16, neg16, izero16))
  acnt0 = woff
  s1, i1, s2, i2 = extract_top2(rm1, ri1, rm2, ri2)
  pool0 = publish_read(0, s1, i1, s2, i2)
  mg0 = jnp.max(pool0[0])

  def cond(state):
    return state[1] > NEG_INF

  def body(state):
    par, _, acnt, s1s, i1s, s2s, i2s = state

    def bcond(st):
      return jnp.logical_not(st[0])

    def bbody(st):
      (stop, steps, u1, u2, am, aI,
       ax1, ay1, ax2, ay2, aa) = st
      c1v = jnp.where(u1, s1s, neg16)
      c2v = jnp.where(u2, s2s, neg16)
      m = jnp.max(jnp.maximum(c1v, c2v))
      candv = jnp.minimum(jnp.where(u1 & (s1s == m), i1s, bigv),
                          jnp.where(u2 & (s2s == m), i2s, bigv))
      ci = jnp.min(candv)
      xb = jnp.max(jnp.where(u2, neg16, s2s))
      go = (m > NEG_INF) & (m > xb)

      pv = jnp.full((16,), ci, jnp.int32)
      cx1 = plsc.load_gather(x1_v, [pv])
      cy1 = plsc.load_gather(y1_v, [pv])
      cx2 = plsc.load_gather(x2_v, [pv])
      cy2 = plsc.load_gather(y2_v, [pv])
      ca = plsc.load_gather(ar_v, [pv])
      xx1 = jnp.maximum(ax1, cx1)
      yy1 = jnp.maximum(ay1, cy1)
      xx2 = jnp.minimum(ax2, cx2)
      yy2 = jnp.minimum(ay2, cy2)
      w = jnp.maximum(xx2 - xx1, np.float32(0.0))
      h = jnp.maximum(yy2 - yy1, np.float32(0.0))
      inter = w * h
      iou = inter / (aa + ca - inter + np.float32(1e-12))
      suppv = am & (iou > np.float32(0.5))
      suppb = plsc.all_reduce_population_count(suppv) > 0

      u1n = jnp.where(go, u1 & (i1s != ci), u1)
      u2n = jnp.where(go, u2 & (i2s != ci), u2)
      slot = plsc.all_reduce_ffs(jnp.logical_not(am))
      sel = (lanes == slot) & jnp.logical_not(suppb) & go
      amn = am | sel
      aIn = jnp.where(sel, pv, aI)
      ax1n = jnp.where(sel, cx1, ax1)
      ay1n = jnp.where(sel, cy1, ay1)
      ax2n = jnp.where(sel, cx2, ax2)
      ay2n = jnp.where(sel, cy2, ay2)
      aan = jnp.where(sel, ca, aa)
      steps2 = steps + 1
      stop2 = jnp.logical_not(go) | (steps2 >= 16)
      return (stop2, steps2, u1n, u2n, amn, aIn,
              ax1n, ay1n, ax2n, ay2n, aan)

    init = (False, np.int32(0),
            jnp.ones((16,), jnp.bool_), jnp.ones((16,), jnp.bool_),
            false16, izero16, zero16, zero16, zero16, zero16, zero16)
    (_, _, _, _, am, aI, ax1, ay1, ax2, ay2, aa) = lax.while_loop(
        bcond, bbody, init)

    offv = aI - base
    wm = am & (offv >= 0) & (offv < P)
    offc = jnp.clip(offv, 0, P - 1)
    plsc.store_scatter(keptl_v, [offc], ones16, mask=wm)

    acc_v[pl.ds(0, 16)] = ax1
    acc_v[pl.ds(16, 16)] = ay1
    acc_v[pl.ds(32, 16)] = ax2
    acc_v[pl.ds(48, 16)] = ay2
    acc_v[pl.ds(64, 16)] = aa
    acc_v[pl.ds(80, 16)] = plsc.bitcast(aI, jnp.float32)
    cnt = jnp.max(plsc.all_reduce_population_count(am))
    chunks = (acnt + 15) // 16

    def per_pivot(k, carry):
      kv = jnp.full((16,), k, jnp.int32)
      px1 = plsc.load_gather(acc_v, [kv])
      py1 = plsc.load_gather(acc_v, [kv + 16])
      px2 = plsc.load_gather(acc_v, [kv + 32])
      py2 = plsc.load_gather(acc_v, [kv + 48])
      pa = plsc.load_gather(acc_v, [kv + 64])
      pgi = plsc.bitcast(plsc.load_gather(acc_v, [kv + 80]), jnp.int32)

      def sweep(j, c2):
        sll = pl.ds(j * 16, 16)
        al = sc_p[sll]
        bx1 = x1_p[sll]
        by1 = y1_p[sll]
        bx2 = x2_p[sll]
        by2 = y2_p[sll]
        ba = ar_p[sll]
        bgx = gx_p[sll]
        xx1 = jnp.maximum(px1, bx1)
        yy1 = jnp.maximum(py1, by1)
        xx2 = jnp.minimum(px2, bx2)
        yy2 = jnp.minimum(py2, by2)
        w = jnp.maximum(xx2 - xx1, np.float32(0.0))
        h = jnp.maximum(yy2 - yy1, np.float32(0.0))
        inter = w * h
        iou = inter / (pa + ba - inter + np.float32(1e-12))
        kill = (iou > np.float32(0.5)) | (bgx == pgi)
        sc_p[sll] = jnp.where(kill, neg16, al)
        return c2

      lax.fori_loop(0, chunks, sweep, 0)
      return carry

    lax.fori_loop(0, cnt, per_pivot, 0)

    def cpk(j, carry):
      woff, rm1, ri1, rm2, ri2 = carry
      sll = pl.ds(j * 16, 16)
      al = sc_p[sll]
      gx = gx_p[sll]
      bx1 = x1_p[sll]
      by1 = y1_p[sll]
      bx2 = x2_p[sll]
      by2 = y2_p[sll]
      ba = ar_p[sll]
      valid = (j * 16 + lanes) < acnt
      keep = (al > NEG_INF) & valid
      dst = pl.ds(woff, 16)
      plsc.store_compressed(gx_p.at[dst], gx, mask=keep)
      plsc.store_compressed(sc_p.at[dst], al, mask=keep)
      plsc.store_compressed(x1_p.at[dst], bx1, mask=keep)
      plsc.store_compressed(y1_p.at[dst], by1, mask=keep)
      plsc.store_compressed(x2_p.at[dst], bx2, mask=keep)
      plsc.store_compressed(y2_p.at[dst], by2, mask=keep)
      plsc.store_compressed(ar_p.at[dst], ba, mask=keep)
      cntc = jnp.max(plsc.all_reduce_population_count(keep))
      carry2 = top2_update((rm1, ri1, rm2, ri2),
                           jnp.where(keep, al, neg16), gx)
      return (woff + cntc,) + carry2

    woff, rm1, ri1, rm2, ri2 = lax.fori_loop(
        0, chunks, cpk, (np.int32(0), neg16, izero16, neg16, izero16))
    acnt2 = woff
    s1, i1, s2, i2 = extract_top2(rm1, ri1, rm2, ri2)

    par2 = 1 - par
    s1s2, i1s2, s2s2, i2s2 = publish_read(par2, s1, i1, s2, i2)
    mg = jnp.max(s1s2)
    return par2, mg, acnt2, s1s2, i1s2, s2s2, i2s2

  lax.while_loop(cond, body, (np.int32(0), mg0, acnt0) + pool0)


  @pl.when(cid == 0)
  def _():
    pltpu.sync_copy(keptl_v, kept_hbm.at[pl.ds(base, P)])


def _loss_body(maskr_ref, keptr_ref, kept_ref, conf_ref,
               x1_ref, y1_ref, x2_ref, y2_ref, tb_ref, out_ref):
  maskr = maskr_ref[...]
  keptr = keptr_ref[...]
  kept = kept_ref[...]
  conf = conf_ref[...]

  rows = maskr.shape[0]
  cols = maskr.shape[1]
  io_r = lax.broadcasted_iota(jnp.int32, (cols, cols), 0)
  io_c = lax.broadcasted_iota(jnp.int32, (cols, cols), 1)
  upper = (io_r <= io_c).astype(jnp.float32)
  within = lax.dot(maskr, upper,
                   preferred_element_type=jnp.float32)
  rowsum = within[:, cols - 1:cols]
  lo_r = lax.broadcasted_iota(jnp.int32, (rows, rows), 0)
  lo_c = lax.broadcasted_iota(jnp.int32, (rows, rows), 1)
  lower = (lo_c < lo_r).astype(jnp.float32)
  offs = lax.dot(lower, rowsum,
                 preferred_element_type=jnp.float32)
  ranks = within + offs - np.float32(1.0)
  num_positives = jnp.sum(keptr * ranks)

  keptb = kept > np.float32(0.5)
  mc = jnp.where(keptb, conf, NEG_INF)
  maxv = jnp.max(mc, axis=1, keepdims=True)
  colio = lax.broadcasted_iota(jnp.int32, (NCLS, NPAD), 1)
  idx = jnp.min(jnp.where(mc == maxv, colio, np.int32(1 << 30)),
                axis=1, keepdims=True)
  onehot = (colio == idx).astype(jnp.float32)

  mlx1 = jnp.sum(onehot * x1_ref[...], axis=1, keepdims=True)
  mly1 = jnp.sum(onehot * y1_ref[...], axis=1, keepdims=True)
  mlx2 = jnp.sum(onehot * x2_ref[...], axis=1, keepdims=True)
  mly2 = jnp.sum(onehot * y2_ref[...], axis=1, keepdims=True)

  def smooth_l1(d):
    ad = jnp.abs(d)
    return jnp.where(ad < np.float32(1.0),
                     np.float32(0.5) * d * d,
                     ad - np.float32(0.5))

  t0 = tb_ref[0:1, 0:1]
  t1 = tb_ref[0:1, 1:2]
  t2 = tb_ref[0:1, 2:3]
  t3 = tb_ref[0:1, 3:4]
  loc_loss = (jnp.sum(smooth_l1(mlx1 - t0)) +
              jnp.sum(smooth_l1(mly1 - t1)) +
              jnp.sum(smooth_l1(mlx2 - t2)) +
              jnp.sum(smooth_l1(mly2 - t3)))

  total = loc_loss / num_positives
  any_valid = jnp.max(maskr) > np.float32(0.0)
  has_keep = jnp.max(keptr) > np.float32(0.0)
  res = jnp.where(any_valid & has_keep, total, np.float32(0.001))
  out_ref[...] = jnp.full((1, 1), res, jnp.float32)


_loss = pl.pallas_call(
    _loss_body,
    out_shape=jax.ShapeDtypeStruct((1, 1), jnp.float32),
)


def kernel(loc, conf, target_boxes, target_labels):
  del target_labels
  confp = jnp.pad(conf.T, ((0, 0), (0, NPAD - N)))
  lxp = jnp.pad(loc[0, :, 0], (0, NPAD - N)).reshape(1, NPAD)
  lyp = jnp.pad(loc[0, :, 1], (0, NPAD - N)).reshape(1, NPAD)
  tb4 = target_boxes.reshape(1, 4)

  ms, x1, y1, x2, y2, ar, mk = _prep(confp, lxp, lyp, tb4)

  kept = _make_sc_nms()(ms.reshape(NPAD), x1.reshape(NPAD), y1.reshape(NPAD),
                        x2.reshape(NPAD), y2.reshape(NPAD), ar.reshape(NPAD))

  out = _loss(mk.reshape(40, 128), kept.reshape(40, 128),
              kept.reshape(1, NPAD), confp, x1, y1, x2, y2, tb4)
  return out[0, 0]

# --- scband reference (transcript-rebuilt; emitter-appended) ---
"""Pipeline reference for scband-improved-bounding-box-processor2-45801531245115 (READ-ONLY COPY).

The authoritative reference and input builder live on the scoring server;
editing this copy changes nothing except your own understanding.
"""

import jax, jax.numpy as jnp
import numpy as np

NUM_CLASSES = 21
ALPHA = 0.25
GAMMA = 2.0
CONF_THRESHOLD = 0.5
IOU_THRESHOLD = 0.5
N_BOXES = 5000


def _nms_np(boxes, scores, iou_threshold):
    boxes = np.asarray(boxes, dtype=np.float64)
    scores = np.asarray(scores, dtype=np.float64)
    x1, y1, x2, y2 = boxes[:, 0], boxes[:, 1], boxes[:, 2], boxes[:, 3]
    areas = (x2 - x1) * (y2 - y1)
    order = np.argsort(-scores)
    suppressed = np.zeros(boxes.shape[0], dtype=bool)
    keep = []
    for i in order:
        if suppressed[i]:
            continue
        keep.append(int(i))
        xx1 = np.maximum(x1[i], x1)
        yy1 = np.maximum(y1[i], y1)
        xx2 = np.minimum(x2[i], x2)
        yy2 = np.minimum(y2[i], y2)
        w = np.clip(xx2 - xx1, 0.0, None)
        h = np.clip(yy2 - yy1, 0.0, None)
        inter = w * h
        iou = inter / (areas[i] + areas - inter + 1e-12)
        suppressed |= iou > iou_threshold
        suppressed[i] = True
    return np.array(keep, dtype=np.int64)


def setup_inputs(seed: int = 0):
    key = jax.random.key(seed)
    k1, k2, k3, k4 = jax.random.split(key, 4)
    loc = jax.random.uniform(k1, (1, N_BOXES, 2), dtype=jnp.float32, minval=0.05, maxval=1.0)
    conf = jax.random.uniform(k2, (N_BOXES, NUM_CLASSES), dtype=jnp.float32)
    target_boxes = jnp.sort(jax.random.uniform(k3, (1, 1, 4), dtype=jnp.float32, minval=0.1, maxval=1.0), axis=-1)
    target_labels = jax.random.randint(k4, (1,), 0, NUM_CLASSES, dtype=jnp.int32)
    return {"loc": loc, "conf": conf, "target_boxes": target_boxes, "target_labels": target_labels}


def reference(loc, conf, target_boxes, target_labels):
    confidence_scores = jnp.max(conf, axis=1)
    mask = confidence_scores > CONF_THRESHOLD
    any_valid = mask.any()
    tb = target_boxes[:, :, None, :]
    pl = loc[:, None, :, :]
    c0 = (tb[..., 0] * pl[..., 0]).reshape(1, -1)
    c1 = (tb[..., 1] * pl[..., 1]).reshape(1, -1)
    c2 = (tb[..., 2] * pl[..., 0]).reshape(1, -1)
    c3 = (tb[..., 3] * pl[..., 1]).reshape(1, -1)
    loc_determined = jnp.stack([c0, c1, c2, c3], axis=-1)
    score = conf[:, 0]
    pred_loc_final = loc_determined[0]
    x1 = pred_loc_final[:, 0]
    y1 = pred_loc_final[:, 1]
    x2 = pred_loc_final[:, 2]
    y2 = pred_loc_final[:, 3]
    areas = (x2 - x1) * (y2 - y1)
    neg_inf = jnp.asarray(-jnp.inf, dtype=jnp.float32)
    masked_score = jnp.where(mask, score, neg_inf)
    order = jnp.argsort(-masked_score)
    n = pred_loc_final.shape[0]

    def body(t, state):
        suppressed, kept = state
        i = order[t]
        active = mask[i] & jnp.logical_not(suppressed[i])
        xx1 = jnp.maximum(x1[i], x1)
        yy1 = jnp.maximum(y1[i], y1)
        xx2 = jnp.minimum(x2[i], x2)
        yy2 = jnp.minimum(y2[i], y2)
        w = jnp.clip(xx2 - xx1, 0.0, None)
        h = jnp.clip(yy2 - yy1, 0.0, None)
        inter = w * h
        iou = inter / (areas[i] + areas - inter + 1e-12)
        new_suppressed = suppressed | (active & (iou > IOU_THRESHOLD))
        new_suppressed = new_suppressed.at[i].set(new_suppressed[i] | active)
        new_kept = kept.at[i].set(kept[i] | active)
        return new_suppressed, new_kept

    suppressed0 = jnp.zeros((n,), dtype=bool)
    kept0 = jnp.zeros((n,), dtype=bool)
    suppressed, kept = jax.lax.fori_loop(0, n, body, (suppressed0, kept0))
    has_keep = kept.any()
    ranks = jnp.cumsum(mask.astype(jnp.int32)) - 1
    num_positives = jnp.sum(jnp.where(kept, ranks, 0).astype(jnp.float32))
    k = int(target_labels.shape[0])
    masked_conf = jnp.where(kept[:, None], conf, neg_inf)
    topv, topi = jax.lax.top_k(masked_conf.T, k)
    matched_conf_k = topv.T
    indices = topi.T
    mc = (matched_conf_k[:, 0] > 0.5).astype(jnp.float32)
    ml = pred_loc_final[indices]
    diff = ml - target_boxes
    ad = jnp.abs(diff)
    loc_loss = jnp.sum(jnp.where(ad < 1.0, 0.5 * diff * diff, ad - 0.5))
    tl = target_labels.astype(jnp.float32)
    logp = jax.nn.log_softmax(mc)
    ce = -jnp.sum(tl * logp)
    p_t = jnp.exp(-ce)
    conf_loss = jnp.sum(ALPHA * (1.0 - p_t) ** GAMMA * ce)
    total_loss = (loc_loss + conf_loss) / num_positives
    return jnp.where(any_valid & has_keep, total_loss, jnp.asarray(0.001, dtype=jnp.float32))

if __name__ == "__main__":
    import jax
    _d = setup_inputs()
    print(jax.jit(kernel)(*tuple(_d.values())))

</pallas_src>

<mosaic_0001>
#map = affine_map<(d0, d1) -> (0)>
module attributes {stable_mosaic.version = 14 : i64} {
  func.func @_sc_nms_body(%arg0: i32, %arg1: i32, %arg2: memref<5120xf32, #tpu.memory_space<hbm>>, %arg3: memref<5120xf32, #tpu.memory_space<hbm>>, %arg4: memref<5120xf32, #tpu.memory_space<hbm>>, %arg5: memref<5120xf32, #tpu.memory_space<hbm>>, %arg6: memref<5120xf32, #tpu.memory_space<hbm>>, %arg7: memref<5120xf32, #tpu.memory_space<hbm>>, %arg8: memref<5120xf32, #tpu.memory_space<hbm>>, %arg9: memref<5120xf32, #tpu.memory_space<vmem>>, %arg10: memref<5120xf32, #tpu.memory_space<vmem>>, %arg11: memref<5120xf32, #tpu.memory_space<vmem>>, %arg12: memref<5120xf32, #tpu.memory_space<vmem>>, %arg13: memref<5120xf32, #tpu.memory_space<vmem>>, %arg14: memref<320xf32, #tpu.memory_space<vmem>>, %arg15: memref<320xf32, #tpu.memory_space<vmem>>, %arg16: memref<16xf32, #tpu.memory_space<vmem>>, %arg17: memref<128xf32, #tpu.memory_space<vmem>>, %arg18: memref<128xf32, #tpu.memory_space<vmem>>, %arg19: memref<256xf32, #tpu.memory_space<vmem_shared>>, %arg20: memref<336xi32, #tpu.memory_space<vmem>>, %arg21: memref<336xf32, #tpu.memory_space<vmem>>, %arg22: memref<336xf32, #tpu.memory_space<vmem>>, %arg23: memref<336xf32, #tpu.memory_space<vmem>>, %arg24: memref<336xf32, #tpu.memory_space<vmem>>, %arg25: memref<336xf32, #tpu.memory_space<vmem>>, %arg26: memref<336xf32, #tpu.memory_space<vmem>>) attributes {dimension_semantics = [#tpu.dimension_semantics<core_parallel>, #tpu.dimension_semantics<subcore_parallel>], iteration_bounds = array<i64: 2, 16>, scalar_prefetch = 0 : i64, scratch_operands = 18 : i64, tpu.core_type = #tpu.core_type<sc_vector_subcore>, window_params = [{transform_indices = #map}, {transform_indices = #map}, {transform_indices = #map}, {transform_indices = #map}, {transform_indices = #map}, {transform_indices = #map}, {transform_indices = #map}]} {
    %mul3A = arith.constant 320 : i32
    %mul3A_0 = arith.muli %arg1, %mul3A : i32
    %iota3A = tpu.iota {dimensions = array<i32: 0>} : vector<16xi32>
    %broadcast_in_dim3A = arith.constant 0.000000e+00 : f32
    %broadcast_in_dim3A_1 = vector.broadcast %broadcast_in_dim3A : f32 to vector<16xf32>
    %broadcast_in_dim3A_2 = arith.constant 0 : i32
    %broadcast_in_dim3A_3 = vector.broadcast %broadcast_in_dim3A_2 : i32 to vector<16xi32>
    %broadcast_in_dim3A_4 = arith.constant 1.000000e+00 : f32
    %broadcast_in_dim3A_5 = vector.broadcast %broadcast_in_dim3A_4 : f32 to vector<16xf32>
    %broadcast_in_dim3A_6 = arith.constant false
    %broadcast_in_dim3A_7 = vector.broadcast %broadcast_in_dim3A_6 : i1 to vector<16xi1>
    %broadcast_in_dim3A_8 = arith.constant 0xFF800000 : f32
    %broadcast_in_dim3A_9 = vector.broadcast %broadcast_in_dim3A_8 : f32 to vector<16xf32>
    %broadcast_in_dim3A_10 = arith.constant 1073741824 : i32
    %broadcast_in_dim3A_11 = vector.broadcast %broadcast_in_dim3A_10 : i32 to vector<16xi32>
    %eq3A = arith.constant 0 : i32
    %eq3A_12 = vector.broadcast %eq3A : i32 to vector<16xi32>
    %eq3A_13 = arith.cmpi eq, %iota3A, %eq3A_12 : vector<16xi32>
    %eq3A_14 = arith.constant 1 : i32
    %eq3A_15 = vector.broadcast %eq3A_14 : i32 to vector<16xi32>
    %eq3A_16 = arith.cmpi eq, %iota3A, %eq3A_15 : vector<16xi32>
    %eq3A_17 = arith.constant 2 : i32
    %eq3A_18 = vector.broadcast %eq3A_17 : i32 to vector<16xi32>
    %eq3A_19 = arith.cmpi eq, %iota3A, %eq3A_18 : vector<16xi32>
    %eq3A_20 = arith.constant 3 : i32
    %eq3A_21 = vector.broadcast %eq3A_20 : i32 to vector<16xi32>
    %eq3A_22 = arith.cmpi eq, %iota3A, %eq3A_21 : vector<16xi32>
    "tpu.region"() ({
      %run_scoped3A = tpu.sem_alloc : memref<!tpu.dma_semaphore, #tpu.memory_space<semaphore_mem>>
      tpu.enqueue_dma source(%arg3 : memref<5120xf32, #tpu.memory_space<hbm>>) target(%arg9 : memref<5120xf32, #tpu.memory_space<vmem>>) target_semaphore(%run_scoped3A : memref<!tpu.dma_semaphore, #tpu.memory_space<semaphore_mem>>)
      tpu.wait_dma2 semaphore(%run_scoped3A : memref<!tpu.dma_semaphore, #tpu.memory_space<semaphore_mem>>) src(%arg3 : memref<5120xf32, #tpu.memory_space<hbm>>) dst(%arg9 : memref<5120xf32, #tpu.memory_space<vmem>>)
      tpu.yield
    }) : () -> ()
    "tpu.region"() ({
      %run_scoped3A = tpu.sem_alloc : memref<!tpu.dma_semaphore, #tpu.memory_space<semaphore_mem>>
      tpu.enqueue_dma source(%arg4 : memref<5120xf32, #tpu.memory_space<hbm>>) target(%arg10 : memref<5120xf32, #tpu.memory_space<vmem>>) target_semaphore(%run_scoped3A : memref<!tpu.dma_semaphore, #tpu.memory_space<semaphore_mem>>)
      tpu.wait_dma2 semaphore(%run_scoped3A : memref<!tpu.dma_semaphore, #tpu.memory_space<semaphore_mem>>) src(%arg4 : memref<5120xf32, #tpu.memory_space<hbm>>) dst(%arg10 : memref<5120xf32, #tpu.memory_space<vmem>>)
      tpu.yield
    }) : () -> ()
    "tpu.region"() ({
      %run_scoped3A = tpu.sem_alloc : memref<!tpu.dma_semaphore, #tpu.memory_space<semaphore_mem>>
      tpu.enqueue_dma source(%arg5 : memref<5120xf32, #tpu.memory_space<hbm>>) target(%arg11 : memref<5120xf32, #tpu.memory_space<vmem>>) target_semaphore(%run_scoped3A : memref<!tpu.dma_semaphore, #tpu.memory_space<semaphore_mem>>)
      tpu.wait_dma2 semaphore(%run_scoped3A : memref<!tpu.dma_semaphore, #tpu.memory_space<semaphore_mem>>) src(%arg5 : memref<5120xf32, #tpu.memory_space<hbm>>) dst(%arg11 : memref<5120xf32, #tpu.memory_space<vmem>>)
      tpu.yield
    }) : () -> ()
    "tpu.region"() ({
      %run_scoped3A = tpu.sem_alloc : memref<!tpu.dma_semaphore, #tpu.memory_space<semaphore_mem>>
      tpu.enqueue_dma source(%arg6 : memref<5120xf32, #tpu.memory_space<hbm>>) target(%arg12 : memref<5120xf32, #tpu.memory_space<vmem>>) target_semaphore(%run_scoped3A : memref<!tpu.dma_semaphore, #tpu.memory_space<semaphore_mem>>)
      tpu.wait_dma2 semaphore(%run_scoped3A : memref<!tpu.dma_semaphore, #tpu.memory_space<semaphore_mem>>) src(%arg6 : memref<5120xf32, #tpu.memory_space<hbm>>) dst(%arg12 : memref<5120xf32, #tpu.memory_space<vmem>>)
      tpu.yield
    }) : () -> ()
    "tpu.region"() ({
      %run_scoped3A = tpu.sem_alloc : memref<!tpu.dma_semaphore, #tpu.memory_space<semaphore_mem>>
      tpu.enqueue_dma source(%arg7 : memref<5120xf32, #tpu.memory_space<hbm>>) target(%arg13 : memref<5120xf32, #tpu.memory_space<vmem>>) target_semaphore(%run_scoped3A : memref<!tpu.dma_semaphore, #tpu.memory_space<semaphore_mem>>)
      tpu.wait_dma2 semaphore(%run_scoped3A : memref<!tpu.dma_semaphore, #tpu.memory_space<semaphore_mem>>) src(%arg7 : memref<5120xf32, #tpu.memory_space<hbm>>) dst(%arg13 : memref<5120xf32, #tpu.memory_space<vmem>>)
      tpu.yield
    }) : () -> ()
    "tpu.region"() ({
      %run_scoped3A = tpu.sem_alloc : memref<!tpu.dma_semaphore, #tpu.memory_space<semaphore_mem>>
      %dma_start3A = tpu.memref_slice %arg2[%mul3A_0] : memref<5120xf32, #tpu.memory_space<hbm>> -> memref<320xf32, #tpu.memory_space<hbm>>
      %dma_start3A_115 = tpu.memref_slice %arg2[%mul3A_0] : memref<5120xf32, #tpu.memory_space<hbm>> -> memref<320xf32, #tpu.memory_space<hbm>>
      tpu.enqueue_dma source(%dma_start3A_115 : memref<320xf32, #tpu.memory_space<hbm>>) target(%arg14 : memref<320xf32, #tpu.memory_space<vmem>>) target_semaphore(%run_scoped3A : memref<!tpu.dma_semaphore, #tpu.memory_space<semaphore_mem>>)
      %dma_wait3A = tpu.memref_slice %arg2[%mul3A_0] : memref<5120xf32, #tpu.memory_space<hbm>> -> memref<320xf32, #tpu.memory_space<hbm>>
      %dma_wait3A_116 = tpu.memref_slice %arg2[%mul3A_0] : memref<5120xf32, #tpu.memory_space<hbm>> -> memref<320xf32, #tpu.memory_space<hbm>>
      tpu.wait_dma2 semaphore(%run_scoped3A : memref<!tpu.dma_semaphore, #tpu.memory_space<semaphore_mem>>) src(%dma_wait3A_116 : memref<320xf32, #tpu.memory_space<hbm>>) dst(%arg14 : memref<320xf32, #tpu.memory_space<vmem>>)
      tpu.yield
    }) : () -> ()
    %scan3A = arith.constant 0 : i32
    %scan3A_23 = arith.constant 0 : i32
    %scan3A_24 = arith.constant 20 : i32
    %scan3A_25 = arith.addi %scan3A_23, %scan3A_24 : i32
    %scan3A_26 = arith.constant 1 : i32
    scf.for %scan3A_115 = %scan3A_23 to %scan3A_25 step %scan3A_26  : i32 {
      %mul3A_116 = arith.constant 16 : i32
      %mul3A_117 = arith.muli %scan3A_115, %mul3A_116 : i32
      %swap3A_118 = arith.index_cast %mul3A_117 : i32 to index
      %swap3A_119 = tpu.vector_load %arg15[%swap3A_118] {strides = array<i32>} : memref<320xf32, #tpu.memory_space<vmem>>, vector<16xf32>,
      tpu.vector_store %arg15[%swap3A_118], %broadcast_in_dim3A_1 {strides = array<i32>} : memref<320xf32, #tpu.memory_space<vmem>>, vector<16xf32>,
    }
    %scan3A_27 = arith.constant 20 : i32
    %scan3A_28 = arith.constant 0 : i32
    %scan3A_29 = arith.constant 0 : i32
    %scan3A_30 = arith.constant 20 : i32
    %scan3A_31 = arith.addi %scan3A_29, %scan3A_30 : i32
    %scan3A_32 = arith.constant 1 : i32
    %scan3A_33:5 = scf.for %scan3A_115 = %scan3A_29 to %scan3A_31 step %scan3A_32 iter_args(%scan3A_116 = %scan3A_28, %scan3A_117 = %broadcast_in_dim3A_9, %scan3A_118 = %broadcast_in_dim3A_3, %scan3A_119 = %broadcast_in_dim3A_9, %scan3A_120 = %broadcast_in_dim3A_3) -> (i32, vector<16xf32>, vector<16xi32>, vector<16xf32>, vector<16xi32>)  : i32 {
      %mul3A_121 = arith.constant 16 : i32
      %mul3A_122 = arith.muli %scan3A_115, %mul3A_121 : i32
      %get3A = arith.index_cast %mul3A_122 : i32 to index
      %get3A_123 = tpu.vector_load %arg14[%get3A] {strides = array<i32>} : memref<320xf32, #tpu.memory_space<vmem>>, vector<16xf32>,
      %mul3A_124 = arith.constant 16 : i32
      %mul3A_125 = arith.muli %scan3A_115, %mul3A_124 : i32
      %add3A_126 = arith.addi %mul3A_0, %mul3A_125 : i32
      %add3A_127 = vector.broadcast %add3A_126 : i32 to vector<16xi32>
      %add3A_128 = arith.addi %add3A_127, %iota3A : vector<16xi32>
      %gt3A = arith.constant 0xFF800000 : f32
      %gt3A_129 = vector.broadcast %gt3A : f32 to vector<16xf32>
      %gt3A_130 = arith.cmpf ogt, %get3A_123, %gt3A_129 : vector<16xf32>
      %swap3A_131 = arith.index_cast %scan3A_116 : i32 to index
      %swap3A_132 = tpu.vector_load %arg20[%swap3A_131] masked %gt3A_130 {strides = array<i32>} : memref<336xi32, #tpu.memory_space<vmem>>, vector<16xi32>, vector<16xi1>
      tpu.vector_store %arg20[%swap3A_131], %add3A_128 masked %gt3A_130 {strides = array<i32>} : memref<336xi32, #tpu.memory_space<vmem>>, vector<16xi32>, vector<16xi1>
      %swap3A_133 = arith.index_cast %scan3A_116 : i32 to index
      %swap3A_134 = tpu.vector_load %arg21[%swap3A_133] masked %gt3A_130 {strides = array<i32>} : memref<336xf32, #tpu.memory_space<vmem>>, vector<16xf32>, vector<16xi1>
      tpu.vector_store %arg21[%swap3A_133], %get3A_123 masked %gt3A_130 {strides = array<i32>} : memref<336xf32, #tpu.memory_space<vmem>>, vector<16xf32>, vector<16xi1>
      %get3A_135 = arith.index_cast %add3A_126 : i32 to index
      %get3A_136 = tpu.vector_load %arg9[%get3A_135] {strides = array<i32>} : memref<5120xf32, #tpu.memory_space<vmem>>, vector<16xf32>,
      %swap3A_137 = arith.index_cast %scan3A_116 : i32 to index
      %swap3A_138 = tpu.vector_load %arg22[%swap3A_137] masked %gt3A_130 {strides = array<i32>} : memref<336xf32, #tpu.memory_space<vmem>>, vector<16xf32>, vector<16xi1>
      tpu.vector_store %arg22[%swap3A_137], %get3A_136 masked %gt3A_130 {strides = array<i32>} : memref<336xf32, #tpu.memory_space<vmem>>, vector<16xf32>, vector<16xi1>
      %get3A_139 = arith.index_cast %add3A_126 : i32 to index
      %get3A_140 = tpu.vector_load %arg10[%get3A_139] {strides = array<i32>} : memref<5120xf32, #tpu.memory_space<vmem>>, vector<16xf32>,
      %swap3A_141 = arith.index_cast %scan3A_116 : i32 to index
      %swap3A_142 = tpu.vector_load %arg23[%swap3A_141] masked %gt3A_130 {strides = array<i32>} : memref<336xf32, #tpu.memory_space<vmem>>, vector<16xf32>, vector<16xi1>
      tpu.vector_store %arg23[%swap3A_141], %get3A_140 masked %gt3A_130 {strides = array<i32>} : memref<336xf32, #tpu.memory_space<vmem>>, vector<16xf32>, vector<16xi1>
      %get3A_143 = arith.index_cast %add3A_126 : i32 to index
      %get3A_144 = tpu.vector_load %arg11[%get3A_143] {strides = array<i32>} : memref<5120xf32, #tpu.memory_space<vmem>>, vector<16xf32>,
      %swap3A_145 = arith.index_cast %scan3A_116 : i32 to index
      %swap3A_146 = tpu.vector_load %arg24[%swap3A_145] masked %gt3A_130 {strides = array<i32>} : memref<336xf32, #tpu.memory_space<vmem>>, vector<16xf32>, vector<16xi1>
      tpu.vector_store %arg24[%swap3A_145], %get3A_144 masked %gt3A_130 {strides = array<i32>} : memref<336xf32, #tpu.memory_space<vmem>>, vector<16xf32>, vector<16xi1>
      %get3A_147 = arith.index_cast %add3A_126 : i32 to index
      %get3A_148 = tpu.vector_load %arg12[%get3A_147] {strides = array<i32>} : memref<5120xf32, #tpu.memory_space<vmem>>, vector<16xf32>,
      %swap3A_149 = arith.index_cast %scan3A_116 : i32 to index
      %swap3A_150 = tpu.vector_load %arg25[%swap3A_149] masked %gt3A_130 {strides = array<i32>} : memref<336xf32, #tpu.memory_space<vmem>>, vector<16xf32>, vector<16xi1>
      tpu.vector_store %arg25[%swap3A_149], %get3A_148 masked %gt3A_130 {strides = array<i32>} : memref<336xf32, #tpu.memory_space<vmem>>, vector<16xf32>, vector<16xi1>
      %get3A_151 = arith.index_cast %add3A_126 : i32 to index
      %get3A_152 = tpu.vector_load %arg13[%get3A_151] {strides = array<i32>} : memref<5120xf32, #tpu.memory_space<vmem>>, vector<16xf32>,
      %swap3A_153 = arith.index_cast %scan3A_116 : i32 to index
      %swap3A_154 = tpu.vector_load %arg26[%swap3A_153] masked %gt3A_130 {strides = array<i32>} : memref<336xf32, #tpu.memory_space<vmem>>, vector<16xf32>, vector<16xi1>
      tpu.vector_store %arg26[%swap3A_153], %get3A_152 masked %gt3A_130 {strides = array<i32>} : memref<336xf32, #tpu.memory_space<vmem>>, vector<16xf32>, vector<16xi1>
      %all_reduce_population_count3A = tpu.all_reduce %gt3A_130 {dim = 0 : i64, kind = #tpu.reduction_kind<sum>} : vector<16xi1> -> vector<16xi32>
      %reduce_max3A_155 = arith.constant true
      %reduce_max3A_156 = vector.broadcast %reduce_max3A_155 : i1 to vector<16xi1>
      %reduce_max3A_157 = arith.constant -2147483648 : i32
      %reduce_max3A_158 = vector.broadcast %reduce_max3A_157 : i32 to vector<16xi32>
      %reduce_max3A_159 = arith.xori %all_reduce_population_count3A, %reduce_max3A_158 : vector<16xi32>
      %reduce_max3A_160 = tpu.scan <max>, %reduce_max3A_159 masked %reduce_max3A_156 : vector<16xi32>, vector<16xi1> -> vector<16xi32>
      %reduce_max3A_161 = arith.xori %reduce_max3A_160, %reduce_max3A_158 : vector<16xi32>
      %reduce_max3A_162 = vector.extract %reduce_max3A_161[15] : i32 from vector<16xi32>
      %select_n3A_163 = arith.select %gt3A_130, %get3A_123, %broadcast_in_dim3A_9 : vector<16xi1>, vector<16xf32>
      %gt3A_164 = arith.cmpf ogt, %select_n3A_163, %scan3A_117 : vector<16xf32>
      %gt3A_165 = arith.cmpf ogt, %select_n3A_163, %scan3A_119 : vector<16xf32>
      %select_n3A_166 = arith.select %gt3A_165, %select_n3A_163, %scan3A_119 : vector<16xi1>, vector<16xf32>
      %select_n3A_167 = arith.select %gt3A_164, %scan3A_117, %select_n3A_166 : vector<16xi1>, vector<16xf32>
      %select_n3A_168 = arith.select %gt3A_165, %add3A_128, %scan3A_120 : vector<16xi1>, vector<16xi32>
      %select_n3A_169 = arith.select %gt3A_164, %scan3A_118, %select_n3A_168 : vector<16xi1>, vector<16xi32>
      %select_n3A_170 = arith.select %gt3A_164, %select_n3A_163, %scan3A_117 : vector<16xi1>, vector<16xf32>
      %select_n3A_171 = arith.select %gt3A_164, %add3A_128, %scan3A_118 : vector<16xi1>, vector<16xi32>
      %add3A_172 = arith.addi %scan3A_116, %reduce_max3A_162 : i32
      scf.yield %add3A_172, %select_n3A_170, %select_n3A_171, %select_n3A_167, %select_n3A_169 : i32, vector<16xf32>, vector<16xi32>, vector<16xf32>, vector<16xi32>
    }
    %scan3A_34 = arith.constant 20 : i32
    %reduce_max3A = arith.constant true
    %reduce_max3A_35 = vector.broadcast %reduce_max3A : i1 to vector<16xi1>
    %reduce_max3A_36 = tpu.scan <max>, %scan3A_33#1 masked %reduce_max3A_35 : vector<16xf32>, vector<16xi1> -> vector<16xf32>
    %reduce_max3A_37 = vector.extract %reduce_max3A_36[15] : f32 from vector<16xf32>
    %eq3A_38 = vector.broadcast %reduce_max3A_37 : f32 to vector<16xf32>
    %eq3A_39 = arith.cmpf oeq, %scan3A_33#1, %eq3A_38 : vector<16xf32>
    %select_n3A = arith.select %eq3A_39, %scan3A_33#2, %broadcast_in_dim3A_11 : vector<16xi1>, vector<16xi32>
    %reduce_min3A = arith.constant true
    %reduce_min3A_40 = vector.broadcast %reduce_min3A : i1 to vector<16xi1>
    %reduce_min3A_41 = arith.constant -2147483648 : i32
    %reduce_min3A_42 = vector.broadcast %reduce_min3A_41 : i32 to vector<16xi32>
    %reduce_min3A_43 = arith.xori %select_n3A, %reduce_min3A_42 : vector<16xi32>
    %reduce_min3A_44 = tpu.scan <min>, %reduce_min3A_43 masked %reduce_min3A_40 : vector<16xi32>, vector<16xi1> -> vector<16xi32>
    %reduce_min3A_45 = arith.xori %reduce_min3A_44, %reduce_min3A_42 : vector<16xi32>
    %reduce_min3A_46 = vector.extract %reduce_min3A_45[15] : i32 from vector<16xi32>
    %eq3A_47 = vector.broadcast %reduce_max3A_37 : f32 to vector<16xf32>
    %eq3A_48 = arith.cmpf oeq, %scan3A_33#1, %eq3A_47 : vector<16xf32>
    %eq3A_49 = vector.broadcast %reduce_min3A_46 : i32 to vector<16xi32>
    %eq3A_50 = arith.cmpi eq, %scan3A_33#2, %eq3A_49 : vector<16xi32>
    %and3A = arith.andi %eq3A_48, %eq3A_50 : vector<16xi1>
    %select_n3A_51 = arith.select %and3A, %scan3A_33#3, %scan3A_33#1 : vector<16xi1>, vector<16xf32>
    %select_n3A_52 = arith.select %and3A, %scan3A_33#4, %scan3A_33#2 : vector<16xi1>, vector<16xi32>
    %reduce_max3A_53 = arith.constant true
    %reduce_max3A_54 = vector.broadcast %reduce_max3A_53 : i1 to vector<16xi1>
    %reduce_max3A_55 = tpu.scan <max>, %select_n3A_51 masked %reduce_max3A_54 : vector<16xf32>, vector<16xi1> -> vector<16xf32>
    %reduce_max3A_56 = vector.extract %reduce_max3A_55[15] : f32 from vector<16xf32>
    %eq3A_57 = vector.broadcast %reduce_max3A_56 : f32 to vector<16xf32>
    %eq3A_58 = arith.cmpf oeq, %select_n3A_51, %eq3A_57 : vector<16xf32>
    %select_n3A_59 = arith.select %eq3A_58, %select_n3A_52, %broadcast_in_dim3A_11 : vector<16xi1>, vector<16xi32>
    %reduce_min3A_60 = arith.constant true
    %reduce_min3A_61 = vector.broadcast %reduce_min3A_60 : i1 to vector<16xi1>
    %reduce_min3A_62 = arith.constant -2147483648 : i32
    %reduce_min3A_63 = vector.broadcast %reduce_min3A_62 : i32 to vector<16xi32>
    %reduce_min3A_64 = arith.xori %select_n3A_59, %reduce_min3A_63 : vector<16xi32>
    %reduce_min3A_65 = tpu.scan <min>, %reduce_min3A_64 masked %reduce_min3A_61 : vector<16xi32>, vector<16xi1> -> vector<16xi32>
    %reduce_min3A_66 = arith.xori %reduce_min3A_65, %reduce_min3A_63 : vector<16xi32>
    %reduce_min3A_67 = vector.extract %reduce_min3A_66[15] : i32 from vector<16xi32>
    %broadcast_in_dim3A_68 = vector.broadcast %reduce_min3A_46 : i32 to vector<16xi32>
    %bitcast3A = vector.bitcast %broadcast_in_dim3A_68 : vector<16xi32> to vector<16xf32>
    %broadcast_in_dim3A_69 = vector.broadcast %reduce_min3A_67 : i32 to vector<16xi32>
    %bitcast3A_70 = vector.bitcast %broadcast_in_dim3A_69 : vector<16xi32> to vector<16xf32>
    %broadcast_in_dim3A_71 = vector.broadcast %reduce_max3A_37 : f32 to vector<16xf32>
    %broadcast_in_dim3A_72 = vector.broadcast %reduce_max3A_56 : f32 to vector<16xf32>
    %select_n3A_73 = arith.select %eq3A_22, %bitcast3A_70, %broadcast_in_dim3A_1 : vector<16xi1>, vector<16xf32>
    %select_n3A_74 = arith.select %eq3A_19, %broadcast_in_dim3A_72, %select_n3A_73 : vector<16xi1>, vector<16xf32>
    %select_n3A_75 = arith.select %eq3A_16, %bitcast3A, %select_n3A_74 : vector<16xi1>, vector<16xf32>
    %select_n3A_76 = arith.select %eq3A_13, %broadcast_in_dim3A_71, %select_n3A_75 : vector<16xi1>, vector<16xf32>
    %swap3A = arith.constant 0 : index
    %swap3A_77 = tpu.vector_load %arg16[%swap3A] {strides = array<i32>} : memref<16xf32, #tpu.memory_space<vmem>>, vector<16xf32>,
    tpu.vector_store %arg16[%swap3A], %select_n3A_76 {strides = array<i32>} : memref<16xf32, #tpu.memory_space<vmem>>, vector<16xf32>,
    %mul3A_78 = arith.constant 8 : i32
    %mul3A_79 = arith.muli %mul3A_78, %arg1 : i32
    %add3A = arith.constant 0 : i32
    %add3A_80 = arith.addi %add3A, %mul3A_79 : i32
    "tpu.region"() ({
      %run_scoped3A = tpu.sem_alloc : memref<!tpu.dma_semaphore, #tpu.memory_space<semaphore_mem>>
      %dma_start3A = arith.constant 0 : i32
      %dma_start3A_115 = tpu.memref_slice %arg16[%dma_start3A] : memref<16xf32, #tpu.memory_space<vmem>> -> memref<8xf32, #tpu.memory_space<vmem>>
      %dma_start3A_116 = tpu.memref_slice %arg19[%add3A_80] : memref<256xf32, #tpu.memory_space<vmem_shared>> -> memref<8xf32, #tpu.memory_space<vmem_shared>>
      %dma_start3A_117 = tpu.memref_slice %arg19[%add3A_80] : memref<256xf32, #tpu.memory_space<vmem_shared>> -> memref<8xf32, #tpu.memory_space<vmem_shared>>
      %dma_start3A_118 = arith.constant 0 : i32
      %dma_start3A_119 = tpu.memref_slice %arg16[%dma_start3A_118] : memref<16xf32, #tpu.memory_space<vmem>> -> memref<8xf32, #tpu.memory_space<vmem>>
      tpu.enqueue_dma source(%dma_start3A_119 : memref<8xf32, #tpu.memory_space<vmem>>) target(%dma_start3A_117 : memref<8xf32, #tpu.memory_space<vmem_shared>>) target_semaphore(%run_scoped3A : memref<!tpu.dma_semaphore, #tpu.memory_space<semaphore_mem>>)
      %dma_wait3A = arith.constant 0 : i32
      %dma_wait3A_120 = tpu.memref_slice %arg16[%dma_wait3A] : memref<16xf32, #tpu.memory_space<vmem>> -> memref<8xf32, #tpu.memory_space<vmem>>
      %dma_wait3A_121 = tpu.memref_slice %arg19[%add3A_80] : memref<256xf32, #tpu.memory_space<vmem_shared>> -> memref<8xf32, #tpu.memory_space<vmem_shared>>
      %dma_wait3A_122 = tpu.memref_slice %arg19[%add3A_80] : memref<256xf32, #tpu.memory_space<vmem_shared>> -> memref<8xf32, #tpu.memory_space<vmem_shared>>
      %dma_wait3A_123 = arith.constant 0 : i32
      %dma_wait3A_124 = tpu.memref_slice %arg16[%dma_wait3A_123] : memref<16xf32, #tpu.memory_space<vmem>> -> memref<8xf32, #tpu.memory_space<vmem>>
      tpu.wait_dma2 semaphore(%run_scoped3A : memref<!tpu.dma_semaphore, #tpu.memory_space<semaphore_mem>>) src(%dma_wait3A_124 : memref<8xf32, #tpu.memory_space<vmem>>) dst(%dma_wait3A_122 : memref<8xf32, #tpu.memory_space<vmem_shared>>)
      tpu.yield
    }) : () -> ()
    %barrier3A = arith.constant 0 : index
    tpu.barrier barrier_id(%barrier3A)
    "tpu.region"() ({
      %run_scoped3A = tpu.sem_alloc : memref<!tpu.dma_semaphore, #tpu.memory_space<semaphore_mem>>
      %dma_start3A = arith.constant 0 : i32
      %dma_start3A_115 = tpu.memref_slice %arg19[%dma_start3A] : memref<256xf32, #tpu.memory_space<vmem_shared>> -> memref<128xf32, #tpu.memory_space<vmem_shared>>
      %dma_start3A_116 = arith.constant 0 : i32
      %dma_start3A_117 = tpu.memref_slice %arg19[%dma_start3A_116] : memref<256xf32, #tpu.memory_space<vmem_shared>> -> memref<128xf32, #tpu.memory_space<vmem_shared>>
      tpu.enqueue_dma source(%dma_start3A_117 : memref<128xf32, #tpu.memory_space<vmem_shared>>) target(%arg17 : memref<128xf32, #tpu.memory_space<vmem>>) target_semaphore(%run_scoped3A : memref<!tpu.dma_semaphore, #tpu.memory_space<semaphore_mem>>)
      %dma_wait3A = arith.constant 0 : i32
      %dma_wait3A_118 = tpu.memref_slice %arg19[%dma_wait3A] : memref<256xf32, #tpu.memory_space<vmem_shared>> -> memref<128xf32, #tpu.memory_space<vmem_shared>>
      %dma_wait3A_119 = arith.constant 0 : i32
      %dma_wait3A_120 = tpu.memref_slice %arg19[%dma_wait3A_119] : memref<256xf32, #tpu.memory_space<vmem_shared>> -> memref<128xf32, #tpu.memory_space<vmem_shared>>
      tpu.wait_dma2 semaphore(%run_scoped3A : memref<!tpu.dma_semaphore, #tpu.memory_space<semaphore_mem>>) src(%dma_wait3A_120 : memref<128xf32, #tpu.memory_space<vmem_shared>>) dst(%arg17 : memref<128xf32, #tpu.memory_space<vmem>>)
      tpu.yield
    }) : () -> ()
    %mul3A_81 = arith.constant 8 : i32
    %mul3A_82 = vector.broadcast %mul3A_81 : i32 to vector<16xi32>
    %mul3A_83 = arith.muli %iota3A, %mul3A_82 : vector<16xi32>
    %gather3A = tpu.vector_load_idx %arg17[%mul3A_83] : memref<128xf32, #tpu.memory_space<vmem>>[vector<16xi32>], vector<16xf32>,
    %mul3A_84 = arith.constant 8 : i32
    %mul3A_85 = vector.broadcast %mul3A_84 : i32 to vector<16xi32>
    %mul3A_86 = arith.muli %iota3A, %mul3A_85 : vector<16xi32>
    %add3A_87 = arith.constant 1 : i32
    %add3A_88 = vector.broadcast %add3A_87 : i32 to vector<16xi32>
    %add3A_89 = arith.addi %mul3A_86, %add3A_88 : vector<16xi32>
    %gather3A_90 = tpu.vector_load_idx %arg17[%add3A_89] : memref<128xf32, #tpu.memory_space<vmem>>[vector<16xi32>], vector<16xf32>,
    %bitcast3A_91 = vector.bitcast %gather3A_90 : vector<16xf32> to vector<16xi32>
    %mul3A_92 = arith.constant 8 : i32
    %mul3A_93 = vector.broadcast %mul3A_92 : i32 to vector<16xi32>
    %mul3A_94 = arith.muli %iota3A, %mul3A_93 : vector<16xi32>
    %add3A_95 = arith.constant 2 : i32
    %add3A_96 = vector.broadcast %add3A_95 : i32 to vector<16xi32>
    %add3A_97 = arith.addi %mul3A_94, %add3A_96 : vector<16xi32>
    %gather3A_98 = tpu.vector_load_idx %arg17[%add3A_97] : memref<128xf32, #tpu.memory_space<vmem>>[vector<16xi32>], vector<16xf32>,
    %mul3A_99 = arith.constant 8 : i32
    %mul3A_100 = vector.broadcast %mul3A_99 : i32 to vector<16xi32>
    %mul3A_101 = arith.muli %iota3A, %mul3A_100 : vector<16xi32>
    %add3A_102 = arith.constant 3 : i32
    %add3A_103 = vector.broadcast %add3A_102 : i32 to vector<16xi32>
    %add3A_104 = arith.addi %mul3A_101, %add3A_103 : vector<16xi32>
    %gather3A_105 = tpu.vector_load_idx %arg17[%add3A_104] : memref<128xf32, #tpu.memory_space<vmem>>[vector<16xi32>], vector<16xf32>,
    %bitcast3A_106 = vector.bitcast %gather3A_105 : vector<16xf32> to vector<16xi32>
    %reduce_max3A_107 = arith.constant true
    %reduce_max3A_108 = vector.broadcast %reduce_max3A_107 : i1 to vector<16xi1>
    %reduce_max3A_109 = tpu.scan <max>, %gather3A masked %reduce_max3A_108 : vector<16xf32>, vector<16xi1> -> vector<16xf32>
    %reduce_max3A_110 = vector.extract %reduce_max3A_109[15] : f32 from vector<16xf32>
    %while3A = arith.constant 0 : i32
    %while3A_111:7 = scf.while (%while3A_115 = %while3A, %while3A_116 = %reduce_max3A_110, %while3A_117 = %scan3A_33#0, %while3A_118 = %gather3A, %while3A_119 = %bitcast3A_91, %while3A_120 = %gather3A_98, %while3A_121 = %bitcast3A_106) : (i32, f32, i32, vector<16xf32>, vector<16xi32>, vector<16xf32>, vector<16xi32>) -> (i32, f32, i32, vector<16xf32>, vector<16xi32>, vector<16xf32>, vector<16xi32>) {
      %gt3A = arith.constant 0xFF800000 : f32
      %gt3A_122 = arith.cmpf ogt, %while3A_116, %gt3A : f32
      scf.condition(%gt3A_122) %while3A_115, %while3A_116, %while3A_117, %while3A_118, %while3A_119, %while3A_120, %while3A_121 : i32, f32, i32, vector<16xf32>, vector<16xi32>, vector<16xf32>, vector<16xi32>
    } do {
    ^bb0(%while3A_115: i32, %while3A_116: f32, %while3A_117: i32, %while3A_118: vector<16xf32>, %while3A_119: vector<16xi32>, %while3A_120: vector<16xf32>, %while3A_121: vector<16xi32>):
      %broadcast_in_dim3A_122 = arith.constant true
      %broadcast_in_dim3A_123 = vector.broadcast %broadcast_in_dim3A_122 : i1 to vector<16xi1>
      %broadcast_in_dim3A_124 = arith.constant true
      %broadcast_in_dim3A_125 = vector.broadcast %broadcast_in_dim3A_124 : i1 to vector<16xi1>
      %while3A_126 = arith.constant false
      %while3A_127 = arith.constant 0 : i32
      %while3A_128:11 = scf.while (%while3A_294 = %while3A_126, %while3A_295 = %while3A_127, %while3A_296 = %broadcast_in_dim3A_123, %while3A_297 = %broadcast_in_dim3A_125, %while3A_298 = %broadcast_in_dim3A_7, %while3A_299 = %broadcast_in_dim3A_3, %while3A_300 = %broadcast_in_dim3A_1, %while3A_301 = %broadcast_in_dim3A_1, %while3A_302 = %broadcast_in_dim3A_1, %while3A_303 = %broadcast_in_dim3A_1, %while3A_304 = %broadcast_in_dim3A_1) : (i1, i32, vector<16xi1>, vector<16xi1>, vector<16xi1>, vector<16xi32>, vector<16xf32>, vector<16xf32>, vector<16xf32>, vector<16xf32>, vector<16xf32>) -> (i1, i32, vector<16xi1>, vector<16xi1>, vector<16xi1>, vector<16xi32>, vector<16xf32>, vector<16xf32>, vector<16xf32>, vector<16xf32>, vector<16xf32>) {
        %not3A = arith.constant true
        %not3A_305 = arith.xori %while3A_294, %not3A : i1
        scf.condition(%not3A_305) %while3A_294, %while3A_295, %while3A_296, %while3A_297, %while3A_298, %while3A_299, %while3A_300, %while3A_301, %while3A_302, %while3A_303, %while3A_304 : i1, i32, vector<16xi1>, vector<16xi1>, vector<16xi1>, vector<16xi32>, vector<16xf32>, vector<16xf32>, vector<16xf32>, vector<16xf32>, vector<16xf32>
      } do {
      ^bb0(%while3A_294: i1, %while3A_295: i32, %while3A_296: vector<16xi1>, %while3A_297: vector<16xi1>, %while3A_298: vector<16xi1>, %while3A_299: vector<16xi32>, %while3A_300: vector<16xf32>, %while3A_301: vector<16xf32>, %while3A_302: vector<16xf32>, %while3A_303: vector<16xf32>, %while3A_304: vector<16xf32>):
        %select_n3A_305 = arith.select %while3A_296, %while3A_118, %broadcast_in_dim3A_9 : vector<16xi1>, vector<16xf32>
        %select_n3A_306 = arith.select %while3A_297, %while3A_120, %broadcast_in_dim3A_9 : vector<16xi1>, vector<16xf32>
        %max3A_307 = arith.maximumf %select_n3A_305, %select_n3A_306 : vector<16xf32>
        %reduce_max3A_308 = arith.constant true
        %reduce_max3A_309 = vector.broadcast %reduce_max3A_308 : i1 to vector<16xi1>
        %reduce_max3A_310 = tpu.scan <max>, %max3A_307 masked %reduce_max3A_309 : vector<16xf32>, vector<16xi1> -> vector<16xf32>
        %reduce_max3A_311 = vector.extract %reduce_max3A_310[15] : f32 from vector<16xf32>
        %eq3A_312 = vector.broadcast %reduce_max3A_311 : f32 to vector<16xf32>
        %eq3A_313 = arith.cmpf oeq, %while3A_118, %eq3A_312 : vector<16xf32>
        %and3A_314 = arith.andi %while3A_296, %eq3A_313 : vector<16xi1>
        %select_n3A_315 = arith.select %and3A_314, %while3A_119, %broadcast_in_dim3A_11 : vector<16xi1>, vector<16xi32>
        %eq3A_316 = vector.broadcast %reduce_max3A_311 : f32 to vector<16xf32>
        %eq3A_317 = arith.cmpf oeq, %while3A_120, %eq3A_316 : vector<16xf32>
        %and3A_318 = arith.andi %while3A_297, %eq3A_317 : vector<16xi1>
        %select_n3A_319 = arith.select %and3A_318, %while3A_121, %broadcast_in_dim3A_11 : vector<16xi1>, vector<16xi32>
        %min3A_320 = arith.minsi %select_n3A_315, %select_n3A_319 : vector<16xi32>
        %reduce_min3A_321 = arith.constant true
        %reduce_min3A_322 = vector.broadcast %reduce_min3A_321 : i1 to vector<16xi1>
        %reduce_min3A_323 = arith.constant -2147483648 : i32
        %reduce_min3A_324 = vector.broadcast %reduce_min3A_323 : i32 to vector<16xi32>
        %reduce_min3A_325 = arith.xori %min3A_320, %reduce_min3A_324 : vector<16xi32>
        %reduce_min3A_326 = tpu.scan <min>, %reduce_min3A_325 masked %reduce_min3A_322 : vector<16xi32>, vector<16xi1> -> vector<16xi32>
        %reduce_min3A_327 = arith.xori %reduce_min3A_326, %reduce_min3A_324 : vector<16xi32>
        %reduce_min3A_328 = vector.extract %reduce_min3A_327[15] : i32 from vector<16xi32>
        %select_n3A_329 = arith.select %while3A_297, %broadcast_in_dim3A_9, %while3A_120 : vector<16xi1>, vector<16xf32>
        %reduce_max3A_330 = arith.constant true
        %reduce_max3A_331 = vector.broadcast %reduce_max3A_330 : i1 to vector<16xi1>
        %reduce_max3A_332 = tpu.scan <max>, %select_n3A_329 masked %reduce_max3A_331 : vector<16xf32>, vector<16xi1> -> vector<16xf32>
        %reduce_max3A_333 = vector.extract %reduce_max3A_332[15] : f32 from vector<16xf32>
        %gt3A = arith.constant 0xFF800000 : f32
        %gt3A_334 = arith.cmpf ogt, %reduce_max3A_311, %gt3A : f32
        %gt3A_335 = arith.cmpf ogt, %reduce_max3A_311, %reduce_max3A_333 : f32
        %and3A_336 = arith.andi %gt3A_334, %gt3A_335 : i1
        %broadcast_in_dim3A_337 = vector.broadcast %reduce_min3A_328 : i32 to vector<16xi32>
        %gather3A_338 = tpu.vector_load_idx %arg9[%broadcast_in_dim3A_337] : memref<5120xf32, #tpu.memory_space<vmem>>[vector<16xi32>], vector<16xf32>,
        %gather3A_339 = tpu.vector_load_idx %arg10[%broadcast_in_dim3A_337] : memref<5120xf32, #tpu.memory_space<vmem>>[vector<16xi32>], vector<16xf32>,
        %gather3A_340 = tpu.vector_load_idx %arg11[%broadcast_in_dim3A_337] : memref<5120xf32, #tpu.memory_space<vmem>>[vector<16xi32>], vector<16xf32>,
        %gather3A_341 = tpu.vector_load_idx %arg12[%broadcast_in_dim3A_337] : memref<5120xf32, #tpu.memory_space<vmem>>[vector<16xi32>], vector<16xf32>,
        %gather3A_342 = tpu.vector_load_idx %arg13[%broadcast_in_dim3A_337] : memref<5120xf32, #tpu.memory_space<vmem>>[vector<16xi32>], vector<16xf32>,
        %max3A_343 = arith.maximumf %while3A_300, %gather3A_338 : vector<16xf32>
        %max3A_344 = arith.maximumf %while3A_301, %gather3A_339 : vector<16xf32>
        %min3A_345 = arith.minimumf %while3A_302, %gather3A_340 : vector<16xf32>
        %min3A_346 = arith.minimumf %while3A_303, %gather3A_341 : vector<16xf32>
        %sub3A_347 = arith.subf %min3A_345, %max3A_343 : vector<16xf32>
        %max3A_348 = arith.constant 0.000000e+00 : f32
        %max3A_349 = vector.broadcast %max3A_348 : f32 to vector<16xf32>
        %max3A_350 = arith.maximumf %sub3A_347, %max3A_349 : vector<16xf32>
        %sub3A_351 = arith.subf %min3A_346, %max3A_344 : vector<16xf32>
        %max3A_352 = arith.constant 0.000000e+00 : f32
        %max3A_353 = vector.broadcast %max3A_352 : f32 to vector<16xf32>
        %max3A_354 = arith.maximumf %sub3A_351, %max3A_353 : vector<16xf32>
        %mul3A_355 = arith.mulf %max3A_350, %max3A_354 : vector<16xf32>
        %add3A_356 = arith.addf %while3A_304, %gather3A_342 : vector<16xf32>
        %sub3A_357 = arith.subf %add3A_356, %mul3A_355 : vector<16xf32>
        %add3A_358 = arith.constant 9.99999996E-13 : f32
        %add3A_359 = vector.broadcast %add3A_358 : f32 to vector<16xf32>
        %add3A_360 = arith.addf %sub3A_357, %add3A_359 : vector<16xf32>
        %div3A_361 = arith.divf %mul3A_355, %add3A_360 : vector<16xf32>
        %gt3A_362 = arith.constant 5.000000e-01 : f32
        %gt3A_363 = vector.broadcast %gt3A_362 : f32 to vector<16xf32>
        %gt3A_364 = arith.cmpf ogt, %div3A_361, %gt3A_363 : vector<16xf32>
        %and3A_365 = arith.andi %while3A_298, %gt3A_364 : vector<16xi1>
        %all_reduce_population_count3A_366 = tpu.all_reduce %and3A_365 {dim = 0 : i64, kind = #tpu.reduction_kind<sum>} : vector<16xi1> -> vector<16xi32>
        %gt3A_367 = arith.constant 0 : i32
        %gt3A_368 = vector.broadcast %gt3A_367 : i32 to vector<16xi32>
        %gt3A_369 = arith.cmpi sgt, %all_reduce_population_count3A_366, %gt3A_368 : vector<16xi32>
        %ne3A_370 = vector.broadcast %reduce_min3A_328 : i32 to vector<16xi32>
        %ne3A_371 = arith.cmpi ne, %while3A_119, %ne3A_370 : vector<16xi32>
        %and3A_372 = arith.andi %while3A_296, %ne3A_371 : vector<16xi1>
        %select_n3A_373 = arith.select %and3A_336, %and3A_372, %while3A_296 : vector<16xi1>
        %ne3A_374 = vector.broadcast %reduce_min3A_328 : i32 to vector<16xi32>
        %ne3A_375 = arith.cmpi ne, %while3A_121, %ne3A_374 : vector<16xi32>
        %and3A_376 = arith.andi %while3A_297, %ne3A_375 : vector<16xi1>
        %select_n3A_377 = arith.select %and3A_336, %and3A_376, %while3A_297 : vector<16xi1>
        %not3A = arith.constant dense<true> : vector<16xi1>
        %not3A_378 = arith.xori %while3A_298, %not3A : vector<16xi1>
        %all_reduce_ffs3A = tpu.all_reduce %not3A_378 {dim = 0 : i64, kind = #tpu.reduction_kind<find_first_set>} : vector<16xi1> -> vector<16xi32>
        %eq3A_379 = arith.cmpi eq, %iota3A, %all_reduce_ffs3A : vector<16xi32>
        %not3A_380 = arith.constant dense<true> : vector<16xi1>
        %not3A_381 = arith.xori %gt3A_369, %not3A_380 : vector<16xi1>
        %and3A_382 = arith.andi %eq3A_379, %not3A_381 : vector<16xi1>
        %and3A_383 = vector.broadcast %and3A_336 : i1 to vector<16xi1>
        %and3A_384 = arith.andi %and3A_382, %and3A_383 : vector<16xi1>
        %or3A = arith.ori %while3A_298, %and3A_384 : vector<16xi1>
        %select_n3A_385 = arith.select %and3A_384, %broadcast_in_dim3A_337, %while3A_299 : vector<16xi1>, vector<16xi32>
        %select_n3A_386 = arith.select %and3A_384, %gather3A_338, %while3A_300 : vector<16xi1>, vector<16xf32>
        %select_n3A_387 = arith.select %and3A_384, %gather3A_339, %while3A_301 : vector<16xi1>, vector<16xf32>
        %select_n3A_388 = arith.select %and3A_384, %gather3A_340, %while3A_302 : vector<16xi1>, vector<16xf32>
        %select_n3A_389 = arith.select %and3A_384, %gather3A_341, %while3A_303 : vector<16xi1>, vector<16xf32>
        %select_n3A_390 = arith.select %and3A_384, %gather3A_342, %while3A_304 : vector<16xi1>, vector<16xf32>
        %add3A_391 = arith.constant 1 : i32
        %add3A_392 = arith.addi %while3A_295, %add3A_391 : i32
        %not3A_393 = arith.constant true
        %not3A_394 = arith.xori %and3A_336, %not3A_393 : i1
        %ge3A_395 = arith.constant 16 : i32
        %ge3A_396 = arith.cmpi sge, %add3A_392, %ge3A_395 : i32
        %or3A_397 = arith.ori %not3A_394, %ge3A_396 : i1
        scf.yield %or3A_397, %add3A_392, %select_n3A_373, %select_n3A_377, %or3A, %select_n3A_385, %select_n3A_386, %select_n3A_387, %select_n3A_388, %select_n3A_389, %select_n3A_390 : i1, i32, vector<16xi1>, vector<16xi1>, vector<16xi1>, vector<16xi32>, vector<16xf32>, vector<16xf32>, vector<16xf32>, vector<16xf32>, vector<16xf32>
      }
      %sub3A = vector.broadcast %mul3A_0 : i32 to vector<16xi32>
      %sub3A_129 = arith.subi %while3A_128#5, %sub3A : vector<16xi32>
      %ge3A = arith.constant 0 : i32
      %ge3A_130 = vector.broadcast %ge3A : i32 to vector<16xi32>
      %ge3A_131 = arith.cmpi sge, %sub3A_129, %ge3A_130 : vector<16xi32>
      %and3A_132 = arith.andi %while3A_128#4, %ge3A_131 : vector<16xi1>
      %lt3A = arith.constant 320 : i32
      %lt3A_133 = vector.broadcast %lt3A : i32 to vector<16xi32>
      %lt3A_134 = arith.cmpi slt, %sub3A_129, %lt3A_133 : vector<16xi32>
      %and3A_135 = arith.andi %and3A_132, %lt3A_134 : vector<16xi1>
      %jit3A = arith.constant 0 : i32
      %jit3A_136 = arith.constant 319 : i32
      %max3A = vector.broadcast %jit3A : i32 to vector<16xi32>
      %max3A_137 = arith.maxsi %max3A, %sub3A_129 : vector<16xi32>
      %min3A = vector.broadcast %jit3A_136 : i32 to vector<16xi32>
      %min3A_138 = arith.minsi %min3A, %max3A_137 : vector<16xi32>
      tpu.vector_store_idx %arg15[%min3A_138], %broadcast_in_dim3A_5 masked %and3A_135 : memref<320xf32, #tpu.memory_space<vmem>>[vector<16xi32>], vector<16xf32>, vector<16xi1>
      %swap3A_139 = arith.constant 0 : index
      %swap3A_140 = tpu.vector_load %arg18[%swap3A_139] {strides = array<i32>} : memref<128xf32, #tpu.memory_space<vmem>>, vector<16xf32>,
      tpu.vector_store %arg18[%swap3A_139], %while3A_128#6 {strides = array<i32>} : memref<128xf32, #tpu.memory_space<vmem>>, vector<16xf32>,
      %swap3A_141 = arith.constant 16 : index
      %swap3A_142 = tpu.vector_load %arg18[%swap3A_141] {strides = array<i32>} : memref<128xf32, #tpu.memory_space<vmem>>, vector<16xf32>,
      tpu.vector_store %arg18[%swap3A_141], %while3A_128#7 {strides = array<i32>} : memref<128xf32, #tpu.memory_space<vmem>>, vector<16xf32>,
      %swap3A_143 = arith.constant 32 : index
      %swap3A_144 = tpu.vector_load %arg18[%swap3A_143] {strides = array<i32>} : memref<128xf32, #tpu.memory_space<vmem>>, vector<16xf32>,
      tpu.vector_store %arg18[%swap3A_143], %while3A_128#8 {strides = array<i32>} : memref<128xf32, #tpu.memory_space<vmem>>, vector<16xf32>,
      %swap3A_145 = arith.constant 48 : index
      %swap3A_146 = tpu.vector_load %arg18[%swap3A_145] {strides = array<i32>} : memref<128xf32, #tpu.memory_space<vmem>>, vector<16xf32>,
      tpu.vector_store %arg18[%swap3A_145], %while3A_128#9 {strides = array<i32>} : memref<128xf32, #tpu.memory_space<vmem>>, vector<16xf32>,
      %swap3A_147 = arith.constant 64 : index
      %swap3A_148 = tpu.vector_load %arg18[%swap3A_147] {strides = array<i32>} : memref<128xf32, #tpu.memory_space<vmem>>, vector<16xf32>,
      tpu.vector_store %arg18[%swap3A_147], %while3A_128#10 {strides = array<i32>} : memref<128xf32, #tpu.memory_space<vmem>>, vector<16xf32>,
      %bitcast3A_149 = vector.bitcast %while3A_128#5 : vector<16xi32> to vector<16xf32>
      %swap3A_150 = arith.constant 80 : index
      %swap3A_151 = tpu.vector_load %arg18[%swap3A_150] {strides = array<i32>} : memref<128xf32, #tpu.memory_space<vmem>>, vector<16xf32>,
      tpu.vector_store %arg18[%swap3A_150], %bitcast3A_149 {strides = array<i32>} : memref<128xf32, #tpu.memory_space<vmem>>, vector<16xf32>,
      %all_reduce_population_count3A = tpu.all_reduce %while3A_128#4 {dim = 0 : i64, kind = #tpu.reduction_kind<sum>} : vector<16xi1> -> vector<16xi32>
      %reduce_max3A_152 = arith.constant true
      %reduce_max3A_153 = vector.broadcast %reduce_max3A_152 : i1 to vector<16xi1>
      %reduce_max3A_154 = arith.constant -2147483648 : i32
      %reduce_max3A_155 = vector.broadcast %reduce_max3A_154 : i32 to vector<16xi32>
      %reduce_max3A_156 = arith.xori %all_reduce_population_count3A, %reduce_max3A_155 : vector<16xi32>
      %reduce_max3A_157 = tpu.scan <max>, %reduce_max3A_156 masked %reduce_max3A_153 : vector<16xi32>, vector<16xi1> -> vector<16xi32>
      %reduce_max3A_158 = arith.xori %reduce_max3A_157, %reduce_max3A_155 : vector<16xi32>
      %reduce_max3A_159 = vector.extract %reduce_max3A_158[15] : i32 from vector<16xi32>
      %add3A_160 = arith.constant 15 : i32
      %add3A_161 = arith.addi %while3A_117, %add3A_160 : i32
      %jit3A_162 = arith.constant 16 : i32
      %div3A = arith.divsi %add3A_161, %jit3A_162 : i32
      %sign3A = arith.constant 0 : i32
      %sign3A_163 = arith.cmpi sgt, %add3A_161, %sign3A : i32
      %sign3A_164 = arith.extui %sign3A_163 : i1 to i32
      %sign3A_165 = arith.constant 0 : i32
      %sign3A_166 = arith.cmpi slt, %add3A_161, %sign3A_165 : i32
      %sign3A_167 = arith.extui %sign3A_166 : i1 to i32
      %sign3A_168 = arith.subi %sign3A_164, %sign3A_167 : i32
      %sign3A_169 = arith.constant 0 : i32
      %sign3A_170 = arith.cmpi sgt, %jit3A_162, %sign3A_169 : i32
      %sign3A_171 = arith.extui %sign3A_170 : i1 to i32
      %sign3A_172 = arith.constant 0 : i32
      %sign3A_173 = arith.cmpi slt, %jit3A_162, %sign3A_172 : i32
      %sign3A_174 = arith.extui %sign3A_173 : i1 to i32
      %sign3A_175 = arith.subi %sign3A_171, %sign3A_174 : i32
      %ne3A = arith.cmpi ne, %sign3A_168, %sign3A_175 : i32
      %rem3A = arith.remsi %add3A_161, %jit3A_162 : i32
      %ne3A_176 = arith.constant 0 : i32
      %ne3A_177 = arith.cmpi ne, %rem3A, %ne3A_176 : i32
      %and3A_178 = arith.andi %ne3A, %ne3A_177 : i1
      %sub3A_179 = arith.constant 1 : i32
      %sub3A_180 = arith.subi %div3A, %sub3A_179 : i32
      %select_n3A_181 = arith.select %and3A_178, %sub3A_180, %div3A : i32
      %while3A_182 = arith.constant 0 : i32
      %while3A_183 = arith.constant 0 : i32
      %while3A_184 = arith.subi %reduce_max3A_159, %while3A_183 : i32
      %while3A_185 = arith.addi %while3A_183, %while3A_184 : i32
      %while3A_186 = arith.constant 1 : i32
      %while3A_187 = arith.divsi %while3A_184, %while3A_186 : i32
      %while3A_188 = arith.muli %while3A_187, %while3A_186 : i32
      %while3A_189 = arith.addi %while3A_183, %while3A_188 : i32
      %while3A_190 = arith.constant 1 : i32
      scf.for %while3A_294 = %while3A_183 to %while3A_189 step %while3A_190  : i32 {
        %broadcast_in_dim3A_295 = vector.broadcast %while3A_294 : i32 to vector<16xi32>
        %gather3A_296 = tpu.vector_load_idx %arg18[%broadcast_in_dim3A_295] : memref<128xf32, #tpu.memory_space<vmem>>[vector<16xi32>], vector<16xf32>,
        %add3A_297 = arith.constant 16 : i32
        %add3A_298 = vector.broadcast %add3A_297 : i32 to vector<16xi32>
        %add3A_299 = arith.addi %broadcast_in_dim3A_295, %add3A_298 : vector<16xi32>
        %gather3A_300 = tpu.vector_load_idx %arg18[%add3A_299] : memref<128xf32, #tpu.memory_space<vmem>>[vector<16xi32>], vector<16xf32>,
        %add3A_301 = arith.constant 32 : i32
        %add3A_302 = vector.broadcast %add3A_301 : i32 to vector<16xi32>
        %add3A_303 = arith.addi %broadcast_in_dim3A_295, %add3A_302 : vector<16xi32>
        %gather3A_304 = tpu.vector_load_idx %arg18[%add3A_303] : memref<128xf32, #tpu.memory_space<vmem>>[vector<16xi32>], vector<16xf32>,
        %add3A_305 = arith.constant 48 : i32
        %add3A_306 = vector.broadcast %add3A_305 : i32 to vector<16xi32>
        %add3A_307 = arith.addi %broadcast_in_dim3A_295, %add3A_306 : vector<16xi32>
        %gather3A_308 = tpu.vector_load_idx %arg18[%add3A_307] : memref<128xf32, #tpu.memory_space<vmem>>[vector<16xi32>], vector<16xf32>,
        %add3A_309 = arith.constant 64 : i32
        %add3A_310 = vector.broadcast %add3A_309 : i32 to vector<16xi32>
        %add3A_311 = arith.addi %broadcast_in_dim3A_295, %add3A_310 : vector<16xi32>
        %gather3A_312 = tpu.vector_load_idx %arg18[%add3A_311] : memref<128xf32, #tpu.memory_space<vmem>>[vector<16xi32>], vector<16xf32>,
        %add3A_313 = arith.constant 80 : i32
        %add3A_314 = vector.broadcast %add3A_313 : i32 to vector<16xi32>
        %add3A_315 = arith.addi %broadcast_in_dim3A_295, %add3A_314 : vector<16xi32>
        %gather3A_316 = tpu.vector_load_idx %arg18[%add3A_315] : memref<128xf32, #tpu.memory_space<vmem>>[vector<16xi32>], vector<16xf32>,
        %bitcast3A_317 = vector.bitcast %gather3A_316 : vector<16xf32> to vector<16xi32>
        %while3A_318 = arith.constant 0 : i32
        %while3A_319 = arith.constant 0 : i32
        %while3A_320 = arith.subi %select_n3A_181, %while3A_319 : i32
        %while3A_321 = arith.addi %while3A_319, %while3A_320 : i32
        %while3A_322 = arith.constant 1 : i32
        %while3A_323 = arith.divsi %while3A_320, %while3A_322 : i32
        %while3A_324 = arith.muli %while3A_323, %while3A_322 : i32
        %while3A_325 = arith.addi %while3A_319, %while3A_324 : i32
        %while3A_326 = arith.constant 1 : i32
        scf.for %while3A_328 = %while3A_319 to %while3A_325 step %while3A_326  : i32 {
          %mul3A_329 = arith.constant 16 : i32
          %mul3A_330 = arith.muli %while3A_328, %mul3A_329 : i32
          %get3A = arith.index_cast %mul3A_330 : i32 to index
          %get3A_331 = tpu.vector_load %arg21[%get3A] {strides = array<i32>} : memref<336xf32, #tpu.memory_space<vmem>>, vector<16xf32>,
          %get3A_332 = arith.index_cast %mul3A_330 : i32 to index
          %get3A_333 = tpu.vector_load %arg22[%get3A_332] {strides = array<i32>} : memref<336xf32, #tpu.memory_space<vmem>>, vector<16xf32>,
          %get3A_334 = arith.index_cast %mul3A_330 : i32 to index
          %get3A_335 = tpu.vector_load %arg23[%get3A_334] {strides = array<i32>} : memref<336xf32, #tpu.memory_space<vmem>>, vector<16xf32>,
          %get3A_336 = arith.index_cast %mul3A_330 : i32 to index
          %get3A_337 = tpu.vector_load %arg24[%get3A_336] {strides = array<i32>} : memref<336xf32, #tpu.memory_space<vmem>>, vector<16xf32>,
          %get3A_338 = arith.index_cast %mul3A_330 : i32 to index
          %get3A_339 = tpu.vector_load %arg25[%get3A_338] {strides = array<i32>} : memref<336xf32, #tpu.memory_space<vmem>>, vector<16xf32>,
          %get3A_340 = arith.index_cast %mul3A_330 : i32 to index
          %get3A_341 = tpu.vector_load %arg26[%get3A_340] {strides = array<i32>} : memref<336xf32, #tpu.memory_space<vmem>>, vector<16xf32>,
          %get3A_342 = arith.index_cast %mul3A_330 : i32 to index
          %get3A_343 = tpu.vector_load %arg20[%get3A_342] {strides = array<i32>} : memref<336xi32, #tpu.memory_space<vmem>>, vector<16xi32>,
          %max3A_344 = arith.maximumf %gather3A_296, %get3A_333 : vector<16xf32>
          %max3A_345 = arith.maximumf %gather3A_300, %get3A_335 : vector<16xf32>
          %min3A_346 = arith.minimumf %gather3A_304, %get3A_337 : vector<16xf32>
          %min3A_347 = arith.minimumf %gather3A_308, %get3A_339 : vector<16xf32>
          %sub3A_348 = arith.subf %min3A_346, %max3A_344 : vector<16xf32>
          %max3A_349 = arith.constant 0.000000e+00 : f32
          %max3A_350 = vector.broadcast %max3A_349 : f32 to vector<16xf32>
          %max3A_351 = arith.maximumf %sub3A_348, %max3A_350 : vector<16xf32>
          %sub3A_352 = arith.subf %min3A_347, %max3A_345 : vector<16xf32>
          %max3A_353 = arith.constant 0.000000e+00 : f32
          %max3A_354 = vector.broadcast %max3A_353 : f32 to vector<16xf32>
          %max3A_355 = arith.maximumf %sub3A_352, %max3A_354 : vector<16xf32>
          %mul3A_356 = arith.mulf %max3A_351, %max3A_355 : vector<16xf32>
          %add3A_357 = arith.addf %gather3A_312, %get3A_341 : vector<16xf32>
          %sub3A_358 = arith.subf %add3A_357, %mul3A_356 : vector<16xf32>
          %add3A_359 = arith.constant 9.99999996E-13 : f32
          %add3A_360 = vector.broadcast %add3A_359 : f32 to vector<16xf32>
          %add3A_361 = arith.addf %sub3A_358, %add3A_360 : vector<16xf32>
          %div3A_362 = arith.divf %mul3A_356, %add3A_361 : vector<16xf32>
          %gt3A = arith.constant 5.000000e-01 : f32
          %gt3A_363 = vector.broadcast %gt3A : f32 to vector<16xf32>
          %gt3A_364 = arith.cmpf ogt, %div3A_362, %gt3A_363 : vector<16xf32>
          %eq3A_365 = arith.cmpi eq, %get3A_343, %bitcast3A_317 : vector<16xi32>
          %or3A = arith.ori %gt3A_364, %eq3A_365 : vector<16xi1>
          %select_n3A_366 = arith.select %or3A, %broadcast_in_dim3A_9, %get3A_331 : vector<16xi1>, vector<16xf32>
          %swap3A_367 = arith.index_cast %mul3A_330 : i32 to index
          %swap3A_368 = tpu.vector_load %arg21[%swap3A_367] {strides = array<i32>} : memref<336xf32, #tpu.memory_space<vmem>>, vector<16xf32>,
          tpu.vector_store %arg21[%swap3A_367], %select_n3A_366 {strides = array<i32>} : memref<336xf32, #tpu.memory_space<vmem>>, vector<16xf32>,
        }
        %while3A_327 = arith.constant 1 : i32
        scf.for %while3A_328 = %while3A_325 to %while3A_321 step %while3A_327  : i32 {
          %mul3A_329 = arith.constant 16 : i32
          %mul3A_330 = arith.muli %while3A_328, %mul3A_329 : i32
          %get3A = arith.index_cast %mul3A_330 : i32 to index
          %get3A_331 = tpu.vector_load %arg21[%get3A] {strides = array<i32>} : memref<336xf32, #tpu.memory_space<vmem>>, vector<16xf32>,
          %get3A_332 = arith.index_cast %mul3A_330 : i32 to index
          %get3A_333 = tpu.vector_load %arg22[%get3A_332] {strides = array<i32>} : memref<336xf32, #tpu.memory_space<vmem>>, vector<16xf32>,
          %get3A_334 = arith.index_cast %mul3A_330 : i32 to index
          %get3A_335 = tpu.vector_load %arg23[%get3A_334] {strides = array<i32>} : memref<336xf32, #tpu.memory_space<vmem>>, vector<16xf32>,
          %get3A_336 = arith.index_cast %mul3A_330 : i32 to index
          %get3A_337 = tpu.vector_load %arg24[%get3A_336] {strides = array<i32>} : memref<336xf32, #tpu.memory_space<vmem>>, vector<16xf32>,
          %get3A_338 = arith.index_cast %mul3A_330 : i32 to index
          %get3A_339 = tpu.vector_load %arg25[%get3A_338] {strides = array<i32>} : memref<336xf32, #tpu.memory_space<vmem>>, vector<16xf32>,
          %get3A_340 = arith.index_cast %mul3A_330 : i32 to index
          %get3A_341 = tpu.vector_load %arg26[%get3A_340] {strides = array<i32>} : memref<336xf32, #tpu.memory_space<vmem>>, vector<16xf32>,
          %get3A_342 = arith.index_cast %mul3A_330 : i32 to index
          %get3A_343 = tpu.vector_load %arg20[%get3A_342] {strides = array<i32>} : memref<336xi32, #tpu.memory_space<vmem>>, vector<16xi32>,
          %max3A_344 = arith.maximumf %gather3A_296, %get3A_333 : vector<16xf32>
          %max3A_345 = arith.maximumf %gather3A_300, %get3A_335 : vector<16xf32>
          %min3A_346 = arith.minimumf %gather3A_304, %get3A_337 : vector<16xf32>
          %min3A_347 = arith.minimumf %gather3A_308, %get3A_339 : vector<16xf32>
          %sub3A_348 = arith.subf %min3A_346, %max3A_344 : vector<16xf32>
          %max3A_349 = arith.constant 0.000000e+00 : f32
          %max3A_350 = vector.broadcast %max3A_349 : f32 to vector<16xf32>
          %max3A_351 = arith.maximumf %sub3A_348, %max3A_350 : vector<16xf32>
          %sub3A_352 = arith.subf %min3A_347, %max3A_345 : vector<16xf32>
          %max3A_353 = arith.constant 0.000000e+00 : f32
          %max3A_354 = vector.broadcast %max3A_353 : f32 to vector<16xf32>
          %max3A_355 = arith.maximumf %sub3A_352, %max3A_354 : vector<16xf32>
          %mul3A_356 = arith.mulf %max3A_351, %max3A_355 : vector<16xf32>
          %add3A_357 = arith.addf %gather3A_312, %get3A_341 : vector<16xf32>
          %sub3A_358 = arith.subf %add3A_357, %mul3A_356 : vector<16xf32>
          %add3A_359 = arith.constant 9.99999996E-13 : f32
          %add3A_360 = vector.broadcast %add3A_359 : f32 to vector<16xf32>
          %add3A_361 = arith.addf %sub3A_358, %add3A_360 : vector<16xf32>
          %div3A_362 = arith.divf %mul3A_356, %add3A_361 : vector<16xf32>
          %gt3A = arith.constant 5.000000e-01 : f32
          %gt3A_363 = vector.broadcast %gt3A : f32 to vector<16xf32>
          %gt3A_364 = arith.cmpf ogt, %div3A_362, %gt3A_363 : vector<16xf32>
          %eq3A_365 = arith.cmpi eq, %get3A_343, %bitcast3A_317 : vector<16xi32>
          %or3A = arith.ori %gt3A_364, %eq3A_365 : vector<16xi1>
          %select_n3A_366 = arith.select %or3A, %broadcast_in_dim3A_9, %get3A_331 : vector<16xi1>, vector<16xf32>
          %swap3A_367 = arith.index_cast %mul3A_330 : i32 to index
          %swap3A_368 = tpu.vector_load %arg21[%swap3A_367] {strides = array<i32>} : memref<336xf32, #tpu.memory_space<vmem>>, vector<16xf32>,
          tpu.vector_store %arg21[%swap3A_367], %select_n3A_366 {strides = array<i32>} : memref<336xf32, #tpu.memory_space<vmem>>, vector<16xf32>,
        }
      }
      %while3A_191 = arith.constant 1 : i32
      scf.for %while3A_294 = %while3A_189 to %while3A_185 step %while3A_191  : i32 {
        %broadcast_in_dim3A_295 = vector.broadcast %while3A_294 : i32 to vector<16xi32>
        %gather3A_296 = tpu.vector_load_idx %arg18[%broadcast_in_dim3A_295] : memref<128xf32, #tpu.memory_space<vmem>>[vector<16xi32>], vector<16xf32>,
        %add3A_297 = arith.constant 16 : i32
        %add3A_298 = vector.broadcast %add3A_297 : i32 to vector<16xi32>
        %add3A_299 = arith.addi %broadcast_in_dim3A_295, %add3A_298 : vector<16xi32>
        %gather3A_300 = tpu.vector_load_idx %arg18[%add3A_299] : memref<128xf32, #tpu.memory_space<vmem>>[vector<16xi32>], vector<16xf32>,
        %add3A_301 = arith.constant 32 : i32
        %add3A_302 = vector.broadcast %add3A_301 : i32 to vector<16xi32>
        %add3A_303 = arith.addi %broadcast_in_dim3A_295, %add3A_302 : vector<16xi32>
        %gather3A_304 = tpu.vector_load_idx %arg18[%add3A_303] : memref<128xf32, #tpu.memory_space<vmem>>[vector<16xi32>], vector<16xf32>,
        %add3A_305 = arith.constant 48 : i32
        %add3A_306 = vector.broadcast %add3A_305 : i32 to vector<16xi32>
        %add3A_307 = arith.addi %broadcast_in_dim3A_295, %add3A_306 : vector<16xi32>
        %gather3A_308 = tpu.vector_load_idx %arg18[%add3A_307] : memref<128xf32, #tpu.memory_space<vmem>>[vector<16xi32>], vector<16xf32>,
        %add3A_309 = arith.constant 64 : i32
        %add3A_310 = vector.broadcast %add3A_309 : i32 to vector<16xi32>
        %add3A_311 = arith.addi %broadcast_in_dim3A_295, %add3A_310 : vector<16xi32>
        %gather3A_312 = tpu.vector_load_idx %arg18[%add3A_311] : memref<128xf32, #tpu.memory_space<vmem>>[vector<16xi32>], vector<16xf32>,
        %add3A_313 = arith.constant 80 : i32
        %add3A_314 = vector.broadcast %add3A_313 : i32 to vector<16xi32>
        %add3A_315 = arith.addi %broadcast_in_dim3A_295, %add3A_314 : vector<16xi32>
        %gather3A_316 = tpu.vector_load_idx %arg18[%add3A_315] : memref<128xf32, #tpu.memory_space<vmem>>[vector<16xi32>], vector<16xf32>,
        %bitcast3A_317 = vector.bitcast %gather3A_316 : vector<16xf32> to vector<16xi32>
        %while3A_318 = arith.constant 0 : i32
        %while3A_319 = arith.constant 0 : i32
        %while3A_320 = arith.subi %select_n3A_181, %while3A_319 : i32
        %while3A_321 = arith.addi %while3A_319, %while3A_320 : i32
        %while3A_322 = arith.constant 1 : i32
        %while3A_323 = arith.divsi %while3A_320, %while3A_322 : i32
        %while3A_324 = arith.muli %while3A_323, %while3A_322 : i32
        %while3A_325 = arith.addi %while3A_319, %while3A_324 : i32
        %while3A_326 = arith.constant 1 : i32
        scf.for %while3A_328 = %while3A_319 to %while3A_325 step %while3A_326  : i32 {
          %mul3A_329 = arith.constant 16 : i32
          %mul3A_330 = arith.muli %while3A_328, %mul3A_329 : i32
          %get3A = arith.index_cast %mul3A_330 : i32 to index
          %get3A_331 = tpu.vector_load %arg21[%get3A] {strides = array<i32>} : memref<336xf32, #tpu.memory_space<vmem>>, vector<16xf32>,
          %get3A_332 = arith.index_cast %mul3A_330 : i32 to index
          %get3A_333 = tpu.vector_load %arg22[%get3A_332] {strides = array<i32>} : memref<336xf32, #tpu.memory_space<vmem>>, vector<16xf32>,
          %get3A_334 = arith.index_cast %mul3A_330 : i32 to index
          %get3A_335 = tpu.vector_load %arg23[%get3A_334] {strides = array<i32>} : memref<336xf32, #tpu.memory_space<vmem>>, vector<16xf32>,
          %get3A_336 = arith.index_cast %mul3A_330 : i32 to index
          %get3A_337 = tpu.vector_load %arg24[%get3A_336] {strides = array<i32>} : memref<336xf32, #tpu.memory_space<vmem>>, vector<16xf32>,
          %get3A_338 = arith.index_cast %mul3A_330 : i32 to index
          %get3A_339 = tpu.vector_load %arg25[%get3A_338] {strides = array<i32>} : memref<336xf32, #tpu.memory_space<vmem>>, vector<16xf32>,
          %get3A_340 = arith.index_cast %mul3A_330 : i32 to index
          %get3A_341 = tpu.vector_load %arg26[%get3A_340] {strides = array<i32>} : memref<336xf32, #tpu.memory_space<vmem>>, vector<16xf32>,
          %get3A_342 = arith.index_cast %mul3A_330 : i32 to index
          %get3A_343 = tpu.vector_load %arg20[%get3A_342] {strides = array<i32>} : memref<336xi32, #tpu.memory_space<vmem>>, vector<16xi32>,
          %max3A_344 = arith.maximumf %gather3A_296, %get3A_333 : vector<16xf32>
          %max3A_345 = arith.maximumf %gather3A_300, %get3A_335 : vector<16xf32>
          %min3A_346 = arith.minimumf %gather3A_304, %get3A_337 : vector<16xf32>
          %min3A_347 = arith.minimumf %gather3A_308, %get3A_339 : vector<16xf32>
          %sub3A_348 = arith.subf %min3A_346, %max3A_344 : vector<16xf32>
          %max3A_349 = arith.constant 0.000000e+00 : f32
          %max3A_350 = vector.broadcast %max3A_349 : f32 to vector<16xf32>
          %max3A_351 = arith.maximumf %sub3A_348, %max3A_350 : vector<16xf32>
          %sub3A_352 = arith.subf %min3A_347, %max3A_345 : vector<16xf32>
          %max3A_353 = arith.constant 0.000000e+00 : f32
          %max3A_354 = vector.broadcast %max3A_353 : f32 to vector<16xf32>
          %max3A_355 = arith.maximumf %sub3A_352, %max3A_354 : vector<16xf32>
          %mul3A_356 = arith.mulf %max3A_351, %max3A_355 : vector<16xf32>
          %add3A_357 = arith.addf %gather3A_312, %get3A_341 : vector<16xf32>
          %sub3A_358 = arith.subf %add3A_357, %mul3A_356 : vector<16xf32>
          %add3A_359 = arith.constant 9.99999996E-13 : f32
          %add3A_360 = vector.broadcast %add3A_359 : f32 to vector<16xf32>
          %add3A_361 = arith.addf %sub3A_358, %add3A_360 : vector<16xf32>
          %div3A_362 = arith.divf %mul3A_356, %add3A_361 : vector<16xf32>
          %gt3A = arith.constant 5.000000e-01 : f32
          %gt3A_363 = vector.broadcast %gt3A : f32 to vector<16xf32>
          %gt3A_364 = arith.cmpf ogt, %div3A_362, %gt3A_363 : vector<16xf32>
          %eq3A_365 = arith.cmpi eq, %get3A_343, %bitcast3A_317 : vector<16xi32>
          %or3A = arith.ori %gt3A_364, %eq3A_365 : vector<16xi1>
          %select_n3A_366 = arith.select %or3A, %broadcast_in_dim3A_9, %get3A_331 : vector<16xi1>, vector<16xf32>
          %swap3A_367 = arith.index_cast %mul3A_330 : i32 to index
          %swap3A_368 = tpu.vector_load %arg21[%swap3A_367] {strides = array<i32>} : memref<336xf32, #tpu.memory_space<vmem>>, vector<16xf32>,
          tpu.vector_store %arg21[%swap3A_367], %select_n3A_366 {strides = array<i32>} : memref<336xf32, #tpu.memory_space<vmem>>, vector<16xf32>,
        }
        %while3A_327 = arith.constant 1 : i32
        scf.for %while3A_328 = %while3A_325 to %while3A_321 step %while3A_327  : i32 {
          %mul3A_329 = arith.constant 16 : i32
          %mul3A_330 = arith.muli %while3A_328, %mul3A_329 : i32
          %get3A = arith.index_cast %mul3A_330 : i32 to index
          %get3A_331 = tpu.vector_load %arg21[%get3A] {strides = array<i32>} : memref<336xf32, #tpu.memory_space<vmem>>, vector<16xf32>,
          %get3A_332 = arith.index_cast %mul3A_330 : i32 to index
          %get3A_333 = tpu.vector_load %arg22[%get3A_332] {strides = array<i32>} : memref<336xf32, #tpu.memory_space<vmem>>, vector<16xf32>,
          %get3A_334 = arith.index_cast %mul3A_330 : i32 to index
          %get3A_335 = tpu.vector_load %arg23[%get3A_334] {strides = array<i32>} : memref<336xf32, #tpu.memory_space<vmem>>, vector<16xf32>,
          %get3A_336 = arith.index_cast %mul3A_330 : i32 to index
          %get3A_337 = tpu.vector_load %arg24[%get3A_336] {strides = array<i32>} : memref<336xf32, #tpu.memory_space<vmem>>, vector<16xf32>,
          %get3A_338 = arith.index_cast %mul3A_330 : i32 to index
          %get3A_339 = tpu.vector_load %arg25[%get3A_338] {strides = array<i32>} : memref<336xf32, #tpu.memory_space<vmem>>, vector<16xf32>,
          %get3A_340 = arith.index_cast %mul3A_330 : i32 to index
          %get3A_341 = tpu.vector_load %arg26[%get3A_340] {strides = array<i32>} : memref<336xf32, #tpu.memory_space<vmem>>, vector<16xf32>,
          %get3A_342 = arith.index_cast %mul3A_330 : i32 to index
          %get3A_343 = tpu.vector_load %arg20[%get3A_342] {strides = array<i32>} : memref<336xi32, #tpu.memory_space<vmem>>, vector<16xi32>,
          %max3A_344 = arith.maximumf %gather3A_296, %get3A_333 : vector<16xf32>
          %max3A_345 = arith.maximumf %gather3A_300, %get3A_335 : vector<16xf32>
          %min3A_346 = arith.minimumf %gather3A_304, %get3A_337 : vector<16xf32>
          %min3A_347 = arith.minimumf %gather3A_308, %get3A_339 : vector<16xf32>
          %sub3A_348 = arith.subf %min3A_346, %max3A_344 : vector<16xf32>
          %max3A_349 = arith.constant 0.000000e+00 : f32
          %max3A_350 = vector.broadcast %max3A_349 : f32 to vector<16xf32>
          %max3A_351 = arith.maximumf %sub3A_348, %max3A_350 : vector<16xf32>
          %sub3A_352 = arith.subf %min3A_347, %max3A_345 : vector<16xf32>
          %max3A_353 = arith.constant 0.000000e+00 : f32
          %max3A_354 = vector.broadcast %max3A_353 : f32 to vector<16xf32>
          %max3A_355 = arith.maximumf %sub3A_352, %max3A_354 : vector<16xf32>
          %mul3A_356 = arith.mulf %max3A_351, %max3A_355 : vector<16xf32>
          %add3A_357 = arith.addf %gather3A_312, %get3A_341 : vector<16xf32>
          %sub3A_358 = arith.subf %add3A_357, %mul3A_356 : vector<16xf32>
          %add3A_359 = arith.constant 9.99999996E-13 : f32
          %add3A_360 = vector.broadcast %add3A_359 : f32 to vector<16xf32>
          %add3A_361 = arith.addf %sub3A_358, %add3A_360 : vector<16xf32>
          %div3A_362 = arith.divf %mul3A_356, %add3A_361 : vector<16xf32>
          %gt3A = arith.constant 5.000000e-01 : f32
          %gt3A_363 = vector.broadcast %gt3A : f32 to vector<16xf32>
          %gt3A_364 = arith.cmpf ogt, %div3A_362, %gt3A_363 : vector<16xf32>
          %eq3A_365 = arith.cmpi eq, %get3A_343, %bitcast3A_317 : vector<16xi32>
          %or3A = arith.ori %gt3A_364, %eq3A_365 : vector<16xi1>
          %select_n3A_366 = arith.select %or3A, %broadcast_in_dim3A_9, %get3A_331 : vector<16xi1>, vector<16xf32>
          %swap3A_367 = arith.index_cast %mul3A_330 : i32 to index
          %swap3A_368 = tpu.vector_load %arg21[%swap3A_367] {strides = array<i32>} : memref<336xf32, #tpu.memory_space<vmem>>, vector<16xf32>,
          tpu.vector_store %arg21[%swap3A_367], %select_n3A_366 {strides = array<i32>} : memref<336xf32, #tpu.memory_space<vmem>>, vector<16xf32>,
        }
      }
      %while3A_192 = arith.constant 0 : i32
      %while3A_193 = arith.constant 0 : i32
      %while3A_194 = arith.subi %select_n3A_181, %while3A_192 : i32
      %while3A_195 = arith.addi %while3A_192, %while3A_194 : i32
      %while3A_196 = arith.constant 1 : i32
      %while3A_197 = arith.divsi %while3A_194, %while3A_196 : i32
      %while3A_198 = arith.muli %while3A_197, %while3A_196 : i32
      %while3A_199 = arith.addi %while3A_192, %while3A_198 : i32
      %while3A_200 = arith.constant 1 : i32
      %while3A_201:5 = scf.for %while3A_294 = %while3A_192 to %while3A_199 step %while3A_200 iter_args(%while3A_295 = %while3A_193, %while3A_296 = %broadcast_in_dim3A_9, %while3A_297 = %broadcast_in_dim3A_3, %while3A_298 = %broadcast_in_dim3A_9, %while3A_299 = %broadcast_in_dim3A_3) -> (i32, vector<16xf32>, vector<16xi32>, vector<16xf32>, vector<16xi32>)  : i32 {
        %mul3A_300 = arith.constant 16 : i32
        %mul3A_301 = arith.muli %while3A_294, %mul3A_300 : i32
        %get3A = arith.index_cast %mul3A_301 : i32 to index
        %get3A_302 = tpu.vector_load %arg21[%get3A] {strides = array<i32>} : memref<336xf32, #tpu.memory_space<vmem>>, vector<16xf32>,
        %get3A_303 = arith.index_cast %mul3A_301 : i32 to index
        %get3A_304 = tpu.vector_load %arg20[%get3A_303] {strides = array<i32>} : memref<336xi32, #tpu.memory_space<vmem>>, vector<16xi32>,
        %get3A_305 = arith.index_cast %mul3A_301 : i32 to index
        %get3A_306 = tpu.vector_load %arg22[%get3A_305] {strides = array<i32>} : memref<336xf32, #tpu.memory_space<vmem>>, vector<16xf32>,
        %get3A_307 = arith.index_cast %mul3A_301 : i32 to index
        %get3A_308 = tpu.vector_load %arg23[%get3A_307] {strides = array<i32>} : memref<336xf32, #tpu.memory_space<vmem>>, vector<16xf32>,
        %get3A_309 = arith.index_cast %mul3A_301 : i32 to index
        %get3A_310 = tpu.vector_load %arg24[%get3A_309] {strides = array<i32>} : memref<336xf32, #tpu.memory_space<vmem>>, vector<16xf32>,
        %get3A_311 = arith.index_cast %mul3A_301 : i32 to index
        %get3A_312 = tpu.vector_load %arg25[%get3A_311] {strides = array<i32>} : memref<336xf32, #tpu.memory_space<vmem>>, vector<16xf32>,
        %get3A_313 = arith.index_cast %mul3A_301 : i32 to index
        %get3A_314 = tpu.vector_load %arg26[%get3A_313] {strides = array<i32>} : memref<336xf32, #tpu.memory_space<vmem>>, vector<16xf32>,
        %mul3A_315 = arith.constant 16 : i32
        %mul3A_316 = arith.muli %while3A_294, %mul3A_315 : i32
        %add3A_317 = vector.broadcast %mul3A_316 : i32 to vector<16xi32>
        %add3A_318 = arith.addi %add3A_317, %iota3A : vector<16xi32>
        %lt3A_319 = vector.broadcast %while3A_117 : i32 to vector<16xi32>
        %lt3A_320 = arith.cmpi slt, %add3A_318, %lt3A_319 : vector<16xi32>
        %gt3A = arith.constant 0xFF800000 : f32
        %gt3A_321 = vector.broadcast %gt3A : f32 to vector<16xf32>
        %gt3A_322 = arith.cmpf ogt, %get3A_302, %gt3A_321 : vector<16xf32>
        %and3A_323 = arith.andi %gt3A_322, %lt3A_320 : vector<16xi1>
        %swap3A_324 = arith.index_cast %while3A_295 : i32 to index
        %swap3A_325 = tpu.vector_load %arg20[%swap3A_324] masked %and3A_323 {strides = array<i32>} : memref<336xi32, #tpu.memory_space<vmem>>, vector<16xi32>, vector<16xi1>
        tpu.vector_store %arg20[%swap3A_324], %get3A_304 masked %and3A_323 {strides = array<i32>} : memref<336xi32, #tpu.memory_space<vmem>>, vector<16xi32>, vector<16xi1>
        %swap3A_326 = arith.index_cast %while3A_295 : i32 to index
        %swap3A_327 = tpu.vector_load %arg21[%swap3A_326] masked %and3A_323 {strides = array<i32>} : memref<336xf32, #tpu.memory_space<vmem>>, vector<16xf32>, vector<16xi1>
        tpu.vector_store %arg21[%swap3A_326], %get3A_302 masked %and3A_323 {strides = array<i32>} : memref<336xf32, #tpu.memory_space<vmem>>, vector<16xf32>, vector<16xi1>
        %swap3A_328 = arith.index_cast %while3A_295 : i32 to index
        %swap3A_329 = tpu.vector_load %arg22[%swap3A_328] masked %and3A_323 {strides = array<i32>} : memref<336xf32, #tpu.memory_space<vmem>>, vector<16xf32>, vector<16xi1>
        tpu.vector_store %arg22[%swap3A_328], %get3A_306 masked %and3A_323 {strides = array<i32>} : memref<336xf32, #tpu.memory_space<vmem>>, vector<16xf32>, vector<16xi1>
        %swap3A_330 = arith.index_cast %while3A_295 : i32 to index
        %swap3A_331 = tpu.vector_load %arg23[%swap3A_330] masked %and3A_323 {strides = array<i32>} : memref<336xf32, #tpu.memory_space<vmem>>, vector<16xf32>, vector<16xi1>
        tpu.vector_store %arg23[%swap3A_330], %get3A_308 masked %and3A_323 {strides = array<i32>} : memref<336xf32, #tpu.memory_space<vmem>>, vector<16xf32>, vector<16xi1>
        %swap3A_332 = arith.index_cast %while3A_295 : i32 to index
        %swap3A_333 = tpu.vector_load %arg24[%swap3A_332] masked %and3A_323 {strides = array<i32>} : memref<336xf32, #tpu.memory_space<vmem>>, vector<16xf32>, vector<16xi1>
        tpu.vector_store %arg24[%swap3A_332], %get3A_310 masked %and3A_323 {strides = array<i32>} : memref<336xf32, #tpu.memory_space<vmem>>, vector<16xf32>, vector<16xi1>
        %swap3A_334 = arith.index_cast %while3A_295 : i32 to index
        %swap3A_335 = tpu.vector_load %arg25[%swap3A_334] masked %and3A_323 {strides = array<i32>} : memref<336xf32, #tpu.memory_space<vmem>>, vector<16xf32>, vector<16xi1>
        tpu.vector_store %arg25[%swap3A_334], %get3A_312 masked %and3A_323 {strides = array<i32>} : memref<336xf32, #tpu.memory_space<vmem>>, vector<16xf32>, vector<16xi1>
        %swap3A_336 = arith.index_cast %while3A_295 : i32 to index
        %swap3A_337 = tpu.vector_load %arg26[%swap3A_336] masked %and3A_323 {strides = array<i32>} : memref<336xf32, #tpu.memory_space<vmem>>, vector<16xf32>, vector<16xi1>
        tpu.vector_store %arg26[%swap3A_336], %get3A_314 masked %and3A_323 {strides = array<i32>} : memref<336xf32, #tpu.memory_space<vmem>>, vector<16xf32>, vector<16xi1>
        %all_reduce_population_count3A_338 = tpu.all_reduce %and3A_323 {dim = 0 : i64, kind = #tpu.reduction_kind<sum>} : vector<16xi1> -> vector<16xi32>
        %reduce_max3A_339 = arith.constant true
        %reduce_max3A_340 = vector.broadcast %reduce_max3A_339 : i1 to vector<16xi1>
        %reduce_max3A_341 = arith.constant -2147483648 : i32
        %reduce_max3A_342 = vector.broadcast %reduce_max3A_341 : i32 to vector<16xi32>
        %reduce_max3A_343 = arith.xori %all_reduce_population_count3A_338, %reduce_max3A_342 : vector<16xi32>
        %reduce_max3A_344 = tpu.scan <max>, %reduce_max3A_343 masked %reduce_max3A_340 : vector<16xi32>, vector<16xi1> -> vector<16xi32>
        %reduce_max3A_345 = arith.xori %reduce_max3A_344, %reduce_max3A_342 : vector<16xi32>
        %reduce_max3A_346 = vector.extract %reduce_max3A_345[15] : i32 from vector<16xi32>
        %select_n3A_347 = arith.select %and3A_323, %get3A_302, %broadcast_in_dim3A_9 : vector<16xi1>, vector<16xf32>
        %gt3A_348 = arith.cmpf ogt, %select_n3A_347, %while3A_296 : vector<16xf32>
        %gt3A_349 = arith.cmpf ogt, %select_n3A_347, %while3A_298 : vector<16xf32>
        %select_n3A_350 = arith.select %gt3A_349, %select_n3A_347, %while3A_298 : vector<16xi1>, vector<16xf32>
        %select_n3A_351 = arith.select %gt3A_348, %while3A_296, %select_n3A_350 : vector<16xi1>, vector<16xf32>
        %select_n3A_352 = arith.select %gt3A_349, %get3A_304, %while3A_299 : vector<16xi1>, vector<16xi32>
        %select_n3A_353 = arith.select %gt3A_348, %while3A_297, %select_n3A_352 : vector<16xi1>, vector<16xi32>
        %select_n3A_354 = arith.select %gt3A_348, %select_n3A_347, %while3A_296 : vector<16xi1>, vector<16xf32>
        %select_n3A_355 = arith.select %gt3A_348, %get3A_304, %while3A_297 : vector<16xi1>, vector<16xi32>
        %add3A_356 = arith.addi %while3A_295, %reduce_max3A_346 : i32
        scf.yield %add3A_356, %select_n3A_354, %select_n3A_355, %select_n3A_351, %select_n3A_353 : i32, vector<16xf32>, vector<16xi32>, vector<16xf32>, vector<16xi32>
      }
      %while3A_202 = arith.constant 1 : i32
      %while3A_203:5 = scf.for %while3A_294 = %while3A_199 to %while3A_195 step %while3A_202 iter_args(%while3A_295 = %while3A_201#0, %while3A_296 = %while3A_201#1, %while3A_297 = %while3A_201#2, %while3A_298 = %while3A_201#3, %while3A_299 = %while3A_201#4) -> (i32, vector<16xf32>, vector<16xi32>, vector<16xf32>, vector<16xi32>)  : i32 {
        %mul3A_300 = arith.constant 16 : i32
        %mul3A_301 = arith.muli %while3A_294, %mul3A_300 : i32
        %get3A = arith.index_cast %mul3A_301 : i32 to index
        %get3A_302 = tpu.vector_load %arg21[%get3A] {strides = array<i32>} : memref<336xf32, #tpu.memory_space<vmem>>, vector<16xf32>,
        %get3A_303 = arith.index_cast %mul3A_301 : i32 to index
        %get3A_304 = tpu.vector_load %arg20[%get3A_303] {strides = array<i32>} : memref<336xi32, #tpu.memory_space<vmem>>, vector<16xi32>,
        %get3A_305 = arith.index_cast %mul3A_301 : i32 to index
        %get3A_306 = tpu.vector_load %arg22[%get3A_305] {strides = array<i32>} : memref<336xf32, #tpu.memory_space<vmem>>, vector<16xf32>,
        %get3A_307 = arith.index_cast %mul3A_301 : i32 to index
        %get3A_308 = tpu.vector_load %arg23[%get3A_307] {strides = array<i32>} : memref<336xf32, #tpu.memory_space<vmem>>, vector<16xf32>,
        %get3A_309 = arith.index_cast %mul3A_301 : i32 to index
        %get3A_310 = tpu.vector_load %arg24[%get3A_309] {strides = array<i32>} : memref<336xf32, #tpu.memory_space<vmem>>, vector<16xf32>,
        %get3A_311 = arith.index_cast %mul3A_301 : i32 to index
        %get3A_312 = tpu.vector_load %arg25[%get3A_311] {strides = array<i32>} : memref<336xf32, #tpu.memory_space<vmem>>, vector<16xf32>,
        %get3A_313 = arith.index_cast %mul3A_301 : i32 to index
        %get3A_314 = tpu.vector_load %arg26[%get3A_313] {strides = array<i32>} : memref<336xf32, #tpu.memory_space<vmem>>, vector<16xf32>,
        %mul3A_315 = arith.constant 16 : i32
        %mul3A_316 = arith.muli %while3A_294, %mul3A_315 : i32
        %add3A_317 = vector.broadcast %mul3A_316 : i32 to vector<16xi32>
        %add3A_318 = arith.addi %add3A_317, %iota3A : vector<16xi32>
        %lt3A_319 = vector.broadcast %while3A_117 : i32 to vector<16xi32>
        %lt3A_320 = arith.cmpi slt, %add3A_318, %lt3A_319 : vector<16xi32>
        %gt3A = arith.constant 0xFF800000 : f32
        %gt3A_321 = vector.broadcast %gt3A : f32 to vector<16xf32>
        %gt3A_322 = arith.cmpf ogt, %get3A_302, %gt3A_321 : vector<16xf32>
        %and3A_323 = arith.andi %gt3A_322, %lt3A_320 : vector<16xi1>
        %swap3A_324 = arith.index_cast %while3A_295 : i32 to index
        %swap3A_325 = tpu.vector_load %arg20[%swap3A_324] masked %and3A_323 {strides = array<i32>} : memref<336xi32, #tpu.memory_space<vmem>>, vector<16xi32>, vector<16xi1>
        tpu.vector_store %arg20[%swap3A_324], %get3A_304 masked %and3A_323 {strides = array<i32>} : memref<336xi32, #tpu.memory_space<vmem>>, vector<16xi32>, vector<16xi1>
        %swap3A_326 = arith.index_cast %while3A_295 : i32 to index
        %swap3A_327 = tpu.vector_load %arg21[%swap3A_326] masked %and3A_323 {strides = array<i32>} : memref<336xf32, #tpu.memory_space<vmem>>, vector<16xf32>, vector<16xi1>
        tpu.vector_store %arg21[%swap3A_326], %get3A_302 masked %and3A_323 {strides = array<i32>} : memref<336xf32, #tpu.memory_space<vmem>>, vector<16xf32>, vector<16xi1>
        %swap3A_328 = arith.index_cast %while3A_295 : i32 to index
        %swap3A_329 = tpu.vector_load %arg22[%swap3A_328] masked %and3A_323 {strides = array<i32>} : memref<336xf32, #tpu.memory_space<vmem>>, vector<16xf32>, vector<16xi1>
        tpu.vector_store %arg22[%swap3A_328], %get3A_306 masked %and3A_323 {strides = array<i32>} : memref<336xf32, #tpu.memory_space<vmem>>, vector<16xf32>, vector<16xi1>
        %swap3A_330 = arith.index_cast %while3A_295 : i32 to index
        %swap3A_331 = tpu.vector_load %arg23[%swap3A_330] masked %and3A_323 {strides = array<i32>} : memref<336xf32, #tpu.memory_space<vmem>>, vector<16xf32>, vector<16xi1>
        tpu.vector_store %arg23[%swap3A_330], %get3A_308 masked %and3A_323 {strides = array<i32>} : memref<336xf32, #tpu.memory_space<vmem>>, vector<16xf32>, vector<16xi1>
        %swap3A_332 = arith.index_cast %while3A_295 : i32 to index
        %swap3A_333 = tpu.vector_load %arg24[%swap3A_332] masked %and3A_323 {strides = array<i32>} : memref<336xf32, #tpu.memory_space<vmem>>, vector<16xf32>, vector<16xi1>
        tpu.vector_store %arg24[%swap3A_332], %get3A_310 masked %and3A_323 {strides = array<i32>} : memref<336xf32, #tpu.memory_space<vmem>>, vector<16xf32>, vector<16xi1>
        %swap3A_334 = arith.index_cast %while3A_295 : i32 to index
        %swap3A_335 = tpu.vector_load %arg25[%swap3A_334] masked %and3A_323 {strides = array<i32>} : memref<336xf32, #tpu.memory_space<vmem>>, vector<16xf32>, vector<16xi1>
        tpu.vector_store %arg25[%swap3A_334], %get3A_312 masked %and3A_323 {strides = array<i32>} : memref<336xf32, #tpu.memory_space<vmem>>, vector<16xf32>, vector<16xi1>
        %swap3A_336 = arith.index_cast %while3A_295 : i32 to index
        %swap3A_337 = tpu.vector_load %arg26[%swap3A_336] masked %and3A_323 {strides = array<i32>} : memref<336xf32, #tpu.memory_space<vmem>>, vector<16xf32>, vector<16xi1>
        tpu.vector_store %arg26[%swap3A_336], %get3A_314 masked %and3A_323 {strides = array<i32>} : memref<336xf32, #tpu.memory_space<vmem>>, vector<16xf32>, vector<16xi1>
        %all_reduce_population_count3A_338 = tpu.all_reduce %and3A_323 {dim = 0 : i64, kind = #tpu.reduction_kind<sum>} : vector<16xi1> -> vector<16xi32>
        %reduce_max3A_339 = arith.constant true
        %reduce_max3A_340 = vector.broadcast %reduce_max3A_339 : i1 to vector<16xi1>
        %reduce_max3A_341 = arith.constant -2147483648 : i32
        %reduce_max3A_342 = vector.broadcast %reduce_max3A_341 : i32 to vector<16xi32>
        %reduce_max3A_343 = arith.xori %all_reduce_population_count3A_338, %reduce_max3A_342 : vector<16xi32>
        %reduce_max3A_344 = tpu.scan <max>, %reduce_max3A_343 masked %reduce_max3A_340 : vector<16xi32>, vector<16xi1> -> vector<16xi32>
        %reduce_max3A_345 = arith.xori %reduce_max3A_344, %reduce_max3A_342 : vector<16xi32>
        %reduce_max3A_346 = vector.extract %reduce_max3A_345[15] : i32 from vector<16xi32>
        %select_n3A_347 = arith.select %and3A_323, %get3A_302, %broadcast_in_dim3A_9 : vector<16xi1>, vector<16xf32>
        %gt3A_348 = arith.cmpf ogt, %select_n3A_347, %while3A_296 : vector<16xf32>
        %gt3A_349 = arith.cmpf ogt, %select_n3A_347, %while3A_298 : vector<16xf32>
        %select_n3A_350 = arith.select %gt3A_349, %select_n3A_347, %while3A_298 : vector<16xi1>, vector<16xf32>
        %select_n3A_351 = arith.select %gt3A_348, %while3A_296, %select_n3A_350 : vector<16xi1>, vector<16xf32>
        %select_n3A_352 = arith.select %gt3A_349, %get3A_304, %while3A_299 : vector<16xi1>, vector<16xi32>
        %select_n3A_353 = arith.select %gt3A_348, %while3A_297, %select_n3A_352 : vector<16xi1>, vector<16xi32>
        %select_n3A_354 = arith.select %gt3A_348, %select_n3A_347, %while3A_296 : vector<16xi1>, vector<16xf32>
        %select_n3A_355 = arith.select %gt3A_348, %get3A_304, %while3A_297 : vector<16xi1>, vector<16xi32>
        %add3A_356 = arith.addi %while3A_295, %reduce_max3A_346 : i32
        scf.yield %add3A_356, %select_n3A_354, %select_n3A_355, %select_n3A_351, %select_n3A_353 : i32, vector<16xf32>, vector<16xi32>, vector<16xf32>, vector<16xi32>
      }
      %reduce_max3A_204 = arith.constant true
      %reduce_max3A_205 = vector.broadcast %reduce_max3A_204 : i1 to vector<16xi1>
      %reduce_max3A_206 = tpu.scan <max>, %while3A_203#1 masked %reduce_max3A_205 : vector<16xf32>, vector<16xi1> -> vector<16xf32>
      %reduce_max3A_207 = vector.extract %reduce_max3A_206[15] : f32 from vector<16xf32>
      %eq3A_208 = vector.broadcast %reduce_max3A_207 : f32 to vector<16xf32>
      %eq3A_209 = arith.cmpf oeq, %while3A_203#1, %eq3A_208 : vector<16xf32>
      %select_n3A_210 = arith.select %eq3A_209, %while3A_203#2, %broadcast_in_dim3A_11 : vector<16xi1>, vector<16xi32>
      %reduce_min3A_211 = arith.constant true
      %reduce_min3A_212 = vector.broadcast %reduce_min3A_211 : i1 to vector<16xi1>
      %reduce_min3A_213 = arith.constant -2147483648 : i32
      %reduce_min3A_214 = vector.broadcast %reduce_min3A_213 : i32 to vector<16xi32>
      %reduce_min3A_215 = arith.xori %select_n3A_210, %reduce_min3A_214 : vector<16xi32>
      %reduce_min3A_216 = tpu.scan <min>, %reduce_min3A_215 masked %reduce_min3A_212 : vector<16xi32>, vector<16xi1> -> vector<16xi32>
      %reduce_min3A_217 = arith.xori %reduce_min3A_216, %reduce_min3A_214 : vector<16xi32>
      %reduce_min3A_218 = vector.extract %reduce_min3A_217[15] : i32 from vector<16xi32>
      %eq3A_219 = vector.broadcast %reduce_max3A_207 : f32 to vector<16xf32>
      %eq3A_220 = arith.cmpf oeq, %while3A_203#1, %eq3A_219 : vector<16xf32>
      %eq3A_221 = vector.broadcast %reduce_min3A_218 : i32 to vector<16xi32>
      %eq3A_222 = arith.cmpi eq, %while3A_203#2, %eq3A_221 : vector<16xi32>
      %and3A_223 = arith.andi %eq3A_220, %eq3A_222 : vector<16xi1>
      %select_n3A_224 = arith.select %and3A_223, %while3A_203#3, %while3A_203#1 : vector<16xi1>, vector<16xf32>
      %select_n3A_225 = arith.select %and3A_223, %while3A_203#4, %while3A_203#2 : vector<16xi1>, vector<16xi32>
      %reduce_max3A_226 = arith.constant true
      %reduce_max3A_227 = vector.broadcast %reduce_max3A_226 : i1 to vector<16xi1>
      %reduce_max3A_228 = tpu.scan <max>, %select_n3A_224 masked %reduce_max3A_227 : vector<16xf32>, vector<16xi1> -> vector<16xf32>
      %reduce_max3A_229 = vector.extract %reduce_max3A_228[15] : f32 from vector<16xf32>
      %eq3A_230 = vector.broadcast %reduce_max3A_229 : f32 to vector<16xf32>
      %eq3A_231 = arith.cmpf oeq, %select_n3A_224, %eq3A_230 : vector<16xf32>
      %select_n3A_232 = arith.select %eq3A_231, %select_n3A_225, %broadcast_in_dim3A_11 : vector<16xi1>, vector<16xi32>
      %reduce_min3A_233 = arith.constant true
      %reduce_min3A_234 = vector.broadcast %reduce_min3A_233 : i1 to vector<16xi1>
      %reduce_min3A_235 = arith.constant -2147483648 : i32
      %reduce_min3A_236 = vector.broadcast %reduce_min3A_235 : i32 to vector<16xi32>
      %reduce_min3A_237 = arith.xori %select_n3A_232, %reduce_min3A_236 : vector<16xi32>
      %reduce_min3A_238 = tpu.scan <min>, %reduce_min3A_237 masked %reduce_min3A_234 : vector<16xi32>, vector<16xi1> -> vector<16xi32>
      %reduce_min3A_239 = arith.xori %reduce_min3A_238, %reduce_min3A_236 : vector<16xi32>
      %reduce_min3A_240 = vector.extract %reduce_min3A_239[15] : i32 from vector<16xi32>
      %sub3A_241 = arith.constant 1 : i32
      %sub3A_242 = arith.subi %sub3A_241, %while3A_115 : i32
      %broadcast_in_dim3A_243 = vector.broadcast %reduce_min3A_218 : i32 to vector<16xi32>
      %bitcast3A_244 = vector.bitcast %broadcast_in_dim3A_243 : vector<16xi32> to vector<16xf32>
      %broadcast_in_dim3A_245 = vector.broadcast %reduce_min3A_240 : i32 to vector<16xi32>
      %bitcast3A_246 = vector.bitcast %broadcast_in_dim3A_245 : vector<16xi32> to vector<16xf32>
      %broadcast_in_dim3A_247 = vector.broadcast %reduce_max3A_207 : f32 to vector<16xf32>
      %broadcast_in_dim3A_248 = vector.broadcast %reduce_max3A_229 : f32 to vector<16xf32>
      %select_n3A_249 = arith.select %eq3A_22, %bitcast3A_246, %broadcast_in_dim3A_1 : vector<16xi1>, vector<16xf32>
      %select_n3A_250 = arith.select %eq3A_19, %broadcast_in_dim3A_248, %select_n3A_249 : vector<16xi1>, vector<16xf32>
      %select_n3A_251 = arith.select %eq3A_16, %bitcast3A_244, %select_n3A_250 : vector<16xi1>, vector<16xf32>
      %select_n3A_252 = arith.select %eq3A_13, %broadcast_in_dim3A_247, %select_n3A_251 : vector<16xi1>, vector<16xf32>
      %swap3A_253 = arith.constant 0 : index
      %swap3A_254 = tpu.vector_load %arg16[%swap3A_253] {strides = array<i32>} : memref<16xf32, #tpu.memory_space<vmem>>, vector<16xf32>,
      tpu.vector_store %arg16[%swap3A_253], %select_n3A_252 {strides = array<i32>} : memref<16xf32, #tpu.memory_space<vmem>>, vector<16xf32>,
      %mul3A_255 = arith.constant 128 : i32
      %mul3A_256 = arith.muli %sub3A_242, %mul3A_255 : i32
      %mul3A_257 = arith.constant 8 : i32
      %mul3A_258 = arith.muli %mul3A_257, %arg1 : i32
      %add3A_259 = arith.addi %mul3A_256, %mul3A_258 : i32
      "tpu.region"() ({
        %run_scoped3A = tpu.sem_alloc : memref<!tpu.dma_semaphore, #tpu.memory_space<semaphore_mem>>
        %dma_start3A = arith.constant 0 : i32
        %dma_start3A_294 = tpu.memref_slice %arg16[%dma_start3A] : memref<16xf32, #tpu.memory_space<vmem>> -> memref<8xf32, #tpu.memory_space<vmem>>
        %dma_start3A_295 = tpu.memref_slice %arg19[%add3A_259] : memref<256xf32, #tpu.memory_space<vmem_shared>> -> memref<8xf32, #tpu.memory_space<vmem_shared>>
        %dma_start3A_296 = tpu.memref_slice %arg19[%add3A_259] : memref<256xf32, #tpu.memory_space<vmem_shared>> -> memref<8xf32, #tpu.memory_space<vmem_shared>>
        %dma_start3A_297 = arith.constant 0 : i32
        %dma_start3A_298 = tpu.memref_slice %arg16[%dma_start3A_297] : memref<16xf32, #tpu.memory_space<vmem>> -> memref<8xf32, #tpu.memory_space<vmem>>
        tpu.enqueue_dma source(%dma_start3A_298 : memref<8xf32, #tpu.memory_space<vmem>>) target(%dma_start3A_296 : memref<8xf32, #tpu.memory_space<vmem_shared>>) target_semaphore(%run_scoped3A : memref<!tpu.dma_semaphore, #tpu.memory_space<semaphore_mem>>)
        %dma_wait3A = arith.constant 0 : i32
        %dma_wait3A_299 = tpu.memref_slice %arg16[%dma_wait3A] : memref<16xf32, #tpu.memory_space<vmem>> -> memref<8xf32, #tpu.memory_space<vmem>>
        %dma_wait3A_300 = tpu.memref_slice %arg19[%add3A_259] : memref<256xf32, #tpu.memory_space<vmem_shared>> -> memref<8xf32, #tpu.memory_space<vmem_shared>>
        %dma_wait3A_301 = tpu.memref_slice %arg19[%add3A_259] : memref<256xf32, #tpu.memory_space<vmem_shared>> -> memref<8xf32, #tpu.memory_space<vmem_shared>>
        %dma_wait3A_302 = arith.constant 0 : i32
        %dma_wait3A_303 = tpu.memref_slice %arg16[%dma_wait3A_302] : memref<16xf32, #tpu.memory_space<vmem>> -> memref<8xf32, #tpu.memory_space<vmem>>
        tpu.wait_dma2 semaphore(%run_scoped3A : memref<!tpu.dma_semaphore, #tpu.memory_space<semaphore_mem>>) src(%dma_wait3A_303 : memref<8xf32, #tpu.memory_space<vmem>>) dst(%dma_wait3A_301 : memref<8xf32, #tpu.memory_space<vmem_shared>>)
        tpu.yield
      }) : () -> ()
      %barrier3A_260 = arith.constant 0 : index
      tpu.barrier barrier_id(%barrier3A_260)
      %mul3A_261 = arith.constant 128 : i32
      %mul3A_262 = arith.muli %sub3A_242, %mul3A_261 : i32
      "tpu.region"() ({
        %run_scoped3A = tpu.sem_alloc : memref<!tpu.dma_semaphore, #tpu.memory_space<semaphore_mem>>
        %dma_start3A = tpu.memref_slice %arg19[%mul3A_262] : memref<256xf32, #tpu.memory_space<vmem_shared>> -> memref<128xf32, #tpu.memory_space<vmem_shared>>
        %dma_start3A_294 = tpu.memref_slice %arg19[%mul3A_262] : memref<256xf32, #tpu.memory_space<vmem_shared>> -> memref<128xf32, #tpu.memory_space<vmem_shared>>
        tpu.enqueue_dma source(%dma_start3A_294 : memref<128xf32, #tpu.memory_space<vmem_shared>>) target(%arg17 : memref<128xf32, #tpu.memory_space<vmem>>) target_semaphore(%run_scoped3A : memref<!tpu.dma_semaphore, #tpu.memory_space<semaphore_mem>>)
        %dma_wait3A = tpu.memref_slice %arg19[%mul3A_262] : memref<256xf32, #tpu.memory_space<vmem_shared>> -> memref<128xf32, #tpu.memory_space<vmem_shared>>
        %dma_wait3A_295 = tpu.memref_slice %arg19[%mul3A_262] : memref<256xf32, #tpu.memory_space<vmem_shared>> -> memref<128xf32, #tpu.memory_space<vmem_shared>>
        tpu.wait_dma2 semaphore(%run_scoped3A : memref<!tpu.dma_semaphore, #tpu.memory_space<semaphore_mem>>) src(%dma_wait3A_295 : memref<128xf32, #tpu.memory_space<vmem_shared>>) dst(%arg17 : memref<128xf32, #tpu.memory_space<vmem>>)
        tpu.yield
      }) : () -> ()
      %mul3A_263 = arith.constant 8 : i32
      %mul3A_264 = vector.broadcast %mul3A_263 : i32 to vector<16xi32>
      %mul3A_265 = arith.muli %iota3A, %mul3A_264 : vector<16xi32>
      %gather3A_266 = tpu.vector_load_idx %arg17[%mul3A_265] : memref<128xf32, #tpu.memory_space<vmem>>[vector<16xi32>], vector<16xf32>,
      %mul3A_267 = arith.constant 8 : i32
      %mul3A_268 = vector.broadcast %mul3A_267 : i32 to vector<16xi32>
      %mul3A_269 = arith.muli %iota3A, %mul3A_268 : vector<16xi32>
      %add3A_270 = arith.constant 1 : i32
      %add3A_271 = vector.broadcast %add3A_270 : i32 to vector<16xi32>
      %add3A_272 = arith.addi %mul3A_269, %add3A_271 : vector<16xi32>
      %gather3A_273 = tpu.vector_load_idx %arg17[%add3A_272] : memref<128xf32, #tpu.memory_space<vmem>>[vector<16xi32>], vector<16xf32>,
      %bitcast3A_274 = vector.bitcast %gather3A_273 : vector<16xf32> to vector<16xi32>
      %mul3A_275 = arith.constant 8 : i32
      %mul3A_276 = vector.broadcast %mul3A_275 : i32 to vector<16xi32>
      %mul3A_277 = arith.muli %iota3A, %mul3A_276 : vector<16xi32>
      %add3A_278 = arith.constant 2 : i32
      %add3A_279 = vector.broadcast %add3A_278 : i32 to vector<16xi32>
      %add3A_280 = arith.addi %mul3A_277, %add3A_279 : vector<16xi32>
      %gather3A_281 = tpu.vector_load_idx %arg17[%add3A_280] : memref<128xf32, #tpu.memory_space<vmem>>[vector<16xi32>], vector<16xf32>,
      %mul3A_282 = arith.constant 8 : i32
      %mul3A_283 = vector.broadcast %mul3A_282 : i32 to vector<16xi32>
      %mul3A_284 = arith.muli %iota3A, %mul3A_283 : vector<16xi32>
      %add3A_285 = arith.constant 3 : i32
      %add3A_286 = vector.broadcast %add3A_285 : i32 to vector<16xi32>
      %add3A_287 = arith.addi %mul3A_284, %add3A_286 : vector<16xi32>
      %gather3A_288 = tpu.vector_load_idx %arg17[%add3A_287] : memref<128xf32, #tpu.memory_space<vmem>>[vector<16xi32>], vector<16xf32>,
      %bitcast3A_289 = vector.bitcast %gather3A_288 : vector<16xf32> to vector<16xi32>
      %reduce_max3A_290 = arith.constant true
      %reduce_max3A_291 = vector.broadcast %reduce_max3A_290 : i1 to vector<16xi1>
      %reduce_max3A_292 = tpu.scan <max>, %gather3A_266 masked %reduce_max3A_291 : vector<16xf32>, vector<16xi1> -> vector<16xf32>
      %reduce_max3A_293 = vector.extract %reduce_max3A_292[15] : f32 from vector<16xf32>
      scf.yield %sub3A_242, %reduce_max3A_293, %while3A_203#0, %gather3A_266, %bitcast3A_274, %gather3A_281, %bitcast3A_289 : i32, f32, i32, vector<16xf32>, vector<16xi32>, vector<16xf32>, vector<16xi32>
    }
    %eq3A_112 = arith.constant 0 : i32
    %eq3A_113 = arith.cmpi eq, %arg0, %eq3A_112 : i32
    %convert_element_type3A = arith.extui %eq3A_113 : i1 to i32
    %cond3A = arith.constant 0 : i32
    %cond3A_114 = arith.cmpi ne, %convert_element_type3A, %cond3A : i32
    scf.if %cond3A_114 {
      "tpu.region"() ({
        %run_scoped3A = tpu.sem_alloc : memref<!tpu.dma_semaphore, #tpu.memory_space<semaphore_mem>>
        %dma_start3A = tpu.memref_slice %arg8[%mul3A_0] : memref<5120xf32, #tpu.memory_space<hbm>> -> memref<320xf32, #tpu.memory_space<hbm>>
        %dma_start3A_115 = tpu.memref_slice %arg8[%mul3A_0] : memref<5120xf32, #tpu.memory_space<hbm>> -> memref<320xf32, #tpu.memory_space<hbm>>
        tpu.enqueue_dma source(%arg15 : memref<320xf32, #tpu.memory_space<vmem>>) target(%dma_start3A_115 : memref<320xf32, #tpu.memory_space<hbm>>) target_semaphore(%run_scoped3A : memref<!tpu.dma_semaphore, #tpu.memory_space<semaphore_mem>>)
        %dma_wait3A = tpu.memref_slice %arg8[%mul3A_0] : memref<5120xf32, #tpu.memory_space<hbm>> -> memref<320xf32, #tpu.memory_space<hbm>>
        %dma_wait3A_116 = tpu.memref_slice %arg8[%mul3A_0] : memref<5120xf32, #tpu.memory_space<hbm>> -> memref<320xf32, #tpu.memory_space<hbm>>
        tpu.wait_dma2 semaphore(%run_scoped3A : memref<!tpu.dma_semaphore, #tpu.memory_space<semaphore_mem>>) src(%arg15 : memref<320xf32, #tpu.memory_space<vmem>>) dst(%dma_wait3A_116 : memref<320xf32, #tpu.memory_space<hbm>>)
        tpu.yield
      }) : () -> ()
    } else {
    }
    return
  }
}

module attributes {stable_mosaic.version = 14 : i64} {
  func.func @_prep_body(%arg0: memref<21x5120xf32, #tpu.memory_space<vmem>>, %arg1: memref<1x5120xf32, #tpu.memory_space<vmem>>, %arg2: memref<1x5120xf32, #tpu.memory_space<vmem>>, %arg3: memref<1x4xf32, #tpu.memory_space<vmem>>, %arg4: memref<1x5120xf32, #tpu.memory_space<vmem>>, %arg5: memref<1x5120xf32, #tpu.memory_space<vmem>>, %arg6: memref<1x5120xf32, #tpu.memory_space<vmem>>, %arg7: memref<1x5120xf32, #tpu.memory_space<vmem>>, %arg8: memref<1x5120xf32, #tpu.memory_space<vmem>>, %arg9: memref<1x5120xf32, #tpu.memory_space<vmem>>, %arg10: memref<1x5120xf32, #tpu.memory_space<vmem>>) attributes {dimension_semantics = [], scalar_prefetch = 0 : i64, scratch_operands = 0 : i64, tpu.core_type = #tpu.core_type<tc>} {
    %get3A = arith.constant 0 : index
    %get3A_0 = arith.constant 0 : index
    %get3A_1 = vector.load %arg0[%get3A, %get3A_0] : memref<21x5120xf32, #tpu.memory_space<vmem>>, vector<21x5120xf32>
    %get3A_2 = arith.constant 0 : index
    %get3A_3 = arith.constant 0 : index
    %get3A_4 = vector.load %arg1[%get3A_2, %get3A_3] : memref<1x5120xf32, #tpu.memory_space<vmem>>, vector<1x5120xf32>
    %get3A_5 = arith.constant 0 : index
    %get3A_6 = arith.constant 0 : index
    %get3A_7 = vector.load %arg2[%get3A_5, %get3A_6] : memref<1x5120xf32, #tpu.memory_space<vmem>>, vector<1x5120xf32>
    %get3A_8 = arith.constant 0 : index
    %get3A_9 = arith.constant 0 : index
    %get3A_10 = vector.load %arg3[%get3A_8, %get3A_9] : memref<1x4xf32, #tpu.memory_space<vmem>>, vector<1x1xf32>
    %get3A_11 = arith.constant 0 : index
    %get3A_12 = arith.constant 1 : index
    %get3A_13 = vector.load %arg3[%get3A_11, %get3A_12] : memref<1x4xf32, #tpu.memory_space<vmem>>, vector<1x1xf32>
    %get3A_14 = arith.constant 0 : index
    %get3A_15 = arith.constant 2 : index
    %get3A_16 = vector.load %arg3[%get3A_14, %get3A_15] : memref<1x4xf32, #tpu.memory_space<vmem>>, vector<1x1xf32>
    %get3A_17 = arith.constant 0 : index
    %get3A_18 = arith.constant 3 : index
    %get3A_19 = vector.load %arg3[%get3A_17, %get3A_18] : memref<1x4xf32, #tpu.memory_space<vmem>>, vector<1x1xf32>
    %reduce_max3A = arith.constant dense<0xFF800000> : vector<5120xf32>
    %reduce_max3A_20 = vector.multi_reduction <maximumf>, %get3A_1, %reduce_max3A [0] : vector<21x5120xf32> to vector<5120xf32>
    %broadcast_in_dim3A = vector.shape_cast %reduce_max3A_20 : vector<5120xf32> to vector<1x5120xf32>
    %gt3A = arith.constant 5.000000e-01 : f32
    %gt3A_21 = vector.broadcast %gt3A : f32 to vector<1x5120xf32>
    %gt3A_22 = arith.cmpf ogt, %broadcast_in_dim3A, %gt3A_21 : vector<1x5120xf32>
    %slice3A = vector.extract_strided_slice %get3A_1 {offsets = [0, 0], sizes = [1, 5120], strides = [1, 1]} : vector<21x5120xf32> to vector<1x5120xf32>
    %jit3A = arith.constant 0xFF800000 : f32
    %broadcast_in_dim3A_23 = vector.broadcast %jit3A : f32 to vector<1x5120xf32>
    %select_n3A = arith.select %gt3A_22, %slice3A, %broadcast_in_dim3A_23 : vector<1x5120xi1>, vector<1x5120xf32>
    %swap3A = arith.constant 0 : index
    %swap3A_24 = arith.constant 0 : index
    %swap3A_25 = vector.load %arg4[%swap3A, %swap3A_24] : memref<1x5120xf32, #tpu.memory_space<vmem>>, vector<1x5120xf32>
    tpu.vector_store %arg4[%swap3A, %swap3A_24], %select_n3A {strides = array<i32>} : memref<1x5120xf32, #tpu.memory_space<vmem>>, vector<1x5120xf32>,
    %mul3A = vector.broadcast %get3A_10 : vector<1x1xf32> to vector<1x5120xf32>
    %mul3A_26 = arith.mulf %mul3A, %get3A_4 : vector<1x5120xf32>
    %mul3A_27 = vector.broadcast %get3A_13 : vector<1x1xf32> to vector<1x5120xf32>
    %mul3A_28 = arith.mulf %mul3A_27, %get3A_7 : vector<1x5120xf32>
    %mul3A_29 = vector.broadcast %get3A_16 : vector<1x1xf32> to vector<1x5120xf32>
    %mul3A_30 = arith.mulf %mul3A_29, %get3A_4 : vector<1x5120xf32>
    %mul3A_31 = vector.broadcast %get3A_19 : vector<1x1xf32> to vector<1x5120xf32>
    %mul3A_32 = arith.mulf %mul3A_31, %get3A_7 : vector<1x5120xf32>
    %swap3A_33 = arith.constant 0 : index
    %swap3A_34 = arith.constant 0 : index
    %swap3A_35 = vector.load %arg5[%swap3A_33, %swap3A_34] : memref<1x5120xf32, #tpu.memory_space<vmem>>, vector<1x5120xf32>
    tpu.vector_store %arg5[%swap3A_33, %swap3A_34], %mul3A_26 {strides = array<i32>} : memref<1x5120xf32, #tpu.memory_space<vmem>>, vector<1x5120xf32>,
    %swap3A_36 = arith.constant 0 : index
    %swap3A_37 = arith.constant 0 : index
    %swap3A_38 = vector.load %arg6[%swap3A_36, %swap3A_37] : memref<1x5120xf32, #tpu.memory_space<vmem>>, vector<1x5120xf32>
    tpu.vector_store %arg6[%swap3A_36, %swap3A_37], %mul3A_28 {strides = array<i32>} : memref<1x5120xf32, #tpu.memory_space<vmem>>, vector<1x5120xf32>,
    %swap3A_39 = arith.constant 0 : index
    %swap3A_40 = arith.constant 0 : index
    %swap3A_41 = vector.load %arg7[%swap3A_39, %swap3A_40] : memref<1x5120xf32, #tpu.memory_space<vmem>>, vector<1x5120xf32>
    tpu.vector_store %arg7[%swap3A_39, %swap3A_40], %mul3A_30 {strides = array<i32>} : memref<1x5120xf32, #tpu.memory_space<vmem>>, vector<1x5120xf32>,
    %swap3A_42 = arith.constant 0 : index
    %swap3A_43 = arith.constant 0 : index
    %swap3A_44 = vector.load %arg8[%swap3A_42, %swap3A_43] : memref<1x5120xf32, #tpu.memory_space<vmem>>, vector<1x5120xf32>
    tpu.vector_store %arg8[%swap3A_42, %swap3A_43], %mul3A_32 {strides = array<i32>} : memref<1x5120xf32, #tpu.memory_space<vmem>>, vector<1x5120xf32>,
    %sub3A = arith.subf %mul3A_30, %mul3A_26 : vector<1x5120xf32>
    %sub3A_45 = arith.subf %mul3A_32, %mul3A_28 : vector<1x5120xf32>
    %mul3A_46 = arith.mulf %sub3A, %sub3A_45 : vector<1x5120xf32>
    %swap3A_47 = arith.constant 0 : index
    %swap3A_48 = arith.constant 0 : index
    %swap3A_49 = vector.load %arg9[%swap3A_47, %swap3A_48] : memref<1x5120xf32, #tpu.memory_space<vmem>>, vector<1x5120xf32>
    tpu.vector_store %arg9[%swap3A_47, %swap3A_48], %mul3A_46 {strides = array<i32>} : memref<1x5120xf32, #tpu.memory_space<vmem>>, vector<1x5120xf32>,
    %convert_element_type3A = arith.extui %gt3A_22 : vector<1x5120xi1> to vector<1x5120xi32>
    %convert_element_type3A_50 = arith.sitofp %convert_element_type3A : vector<1x5120xi32> to vector<1x5120xf32>
    %swap3A_51 = arith.constant 0 : index
    %swap3A_52 = arith.constant 0 : index
    %swap3A_53 = vector.load %arg10[%swap3A_51, %swap3A_52] : memref<1x5120xf32, #tpu.memory_space<vmem>>, vector<1x5120xf32>
    tpu.vector_store %arg10[%swap3A_51, %swap3A_52], %convert_element_type3A_50 {strides = array<i32>} : memref<1x5120xf32, #tpu.memory_space<vmem>>, vector<1x5120xf32>,
    return
  }
}

module attributes {stable_mosaic.version = 14 : i64} {
  func.func @_loss_body(%arg0: memref<40x128xf32, #tpu.memory_space<vmem>>, %arg1: memref<40x128xf32, #tpu.memory_space<vmem>>, %arg2: memref<1x5120xf32, #tpu.memory_space<vmem>>, %arg3: memref<21x5120xf32, #tpu.memory_space<vmem>>, %arg4: memref<1x5120xf32, #tpu.memory_space<vmem>>, %arg5: memref<1x5120xf32, #tpu.memory_space<vmem>>, %arg6: memref<1x5120xf32, #tpu.memory_space<vmem>>, %arg7: memref<1x5120xf32, #tpu.memory_space<vmem>>, %arg8: memref<1x4xf32, #tpu.memory_space<vmem>>, %arg9: memref<1x1xf32, #tpu.memory_space<vmem>>) attributes {dimension_semantics = [], scalar_prefetch = 0 : i64, scratch_operands = 0 : i64, tpu.core_type = #tpu.core_type<tc>} {
    %get3A = arith.constant 0 : index
    %get3A_0 = arith.constant 0 : index
    %get3A_1 = vector.load %arg0[%get3A, %get3A_0] : memref<40x128xf32, #tpu.memory_space<vmem>>, vector<40x128xf32>
    %get3A_2 = arith.constant 0 : index
    %get3A_3 = arith.constant 0 : index
    %get3A_4 = vector.load %arg1[%get3A_2, %get3A_3] : memref<40x128xf32, #tpu.memory_space<vmem>>, vector<40x128xf32>
    %get3A_5 = arith.constant 0 : index
    %get3A_6 = arith.constant 0 : index
    %get3A_7 = vector.load %arg2[%get3A_5, %get3A_6] : memref<1x5120xf32, #tpu.memory_space<vmem>>, vector<1x5120xf32>
    %get3A_8 = arith.constant 0 : index
    %get3A_9 = arith.constant 0 : index
    %get3A_10 = vector.load %arg3[%get3A_8, %get3A_9] : memref<21x5120xf32, #tpu.memory_space<vmem>>, vector<21x5120xf32>
    %iota3A = tpu.iota {dimensions = array<i32: 0>} : vector<128x128xi32>
    %iota3A_11 = tpu.iota {dimensions = array<i32: 1>} : vector<128x128xi32>
    %le3A = arith.cmpi sle, %iota3A, %iota3A_11 : vector<128x128xi32>
    %convert_element_type3A = arith.extui %le3A : vector<128x128xi1> to vector<128x128xi32>
    %convert_element_type3A_12 = arith.sitofp %convert_element_type3A : vector<128x128xi32> to vector<128x128xf32>
    %dot_general3A = arith.constant dense<0.000000e+00> : vector<40x128xf32>
    %dot_general3A_13 = tpu.matmul %get3A_1, %convert_element_type3A_12, %dot_general3A {dimension_numbers = #tpu.dot_dimension_numbers<[1], [0], [0], [1], [0, 0, 1, 1], [], []>, transpose_lhs_hint = false} : vector<40x128xf32>, vector<128x128xf32>, vector<40x128xf32> -> vector<40x128xf32>
    %slice3A = vector.extract_strided_slice %dot_general3A_13 {offsets = [0, 127], sizes = [40, 1], strides = [1, 1]} : vector<40x128xf32> to vector<40x1xf32>
    %iota3A_14 = tpu.iota {dimensions = array<i32: 0>} : vector<40x40xi32>
    %iota3A_15 = tpu.iota {dimensions = array<i32: 1>} : vector<40x40xi32>
    %lt3A = arith.cmpi slt, %iota3A_15, %iota3A_14 : vector<40x40xi32>
    %convert_element_type3A_16 = arith.extui %lt3A : vector<40x40xi1> to vector<40x40xi32>
    %convert_element_type3A_17 = arith.sitofp %convert_element_type3A_16 : vector<40x40xi32> to vector<40x40xf32>
    %dot_general3A_18 = arith.constant dense<0.000000e+00> : vector<40x1xf32>
    %dot_general3A_19 = tpu.matmul %convert_element_type3A_17, %slice3A, %dot_general3A_18 {dimension_numbers = #tpu.dot_dimension_numbers<[1], [0], [0], [1], [0, 0, 1, 1], [], []>, transpose_lhs_hint = false} : vector<40x40xf32>, vector<40x1xf32>, vector<40x1xf32> -> vector<40x1xf32>
    %add3A = vector.broadcast %dot_general3A_19 : vector<40x1xf32> to vector<40x128xf32>
    %add3A_20 = arith.addf %dot_general3A_13, %add3A : vector<40x128xf32>
    %sub3A = arith.constant 1.000000e+00 : f32
    %sub3A_21 = vector.broadcast %sub3A : f32 to vector<40x128xf32>
    %sub3A_22 = arith.subf %add3A_20, %sub3A_21 : vector<40x128xf32>
    %mul3A = arith.mulf %get3A_4, %sub3A_22 : vector<40x128xf32>
    %reduce_sum3A = vector.shape_cast %mul3A : vector<40x128xf32> to vector<1x40x128xf32>
    %reduce_sum3A_23 = arith.constant dense<0.000000e+00> : vector<1xf32>
    %reduce_sum3A_24 = vector.multi_reduction <add>, %reduce_sum3A, %reduce_sum3A_23 [1, 2] : vector<1x40x128xf32> to vector<1xf32>
    %reduce_sum3A_25 = vector.shape_cast %reduce_sum3A_24 : vector<1xf32> to vector<1x1x1xf32>
    %reduce_sum3A_26 = vector.extract %reduce_sum3A_25[0, 0, 0] : f32 from vector<1x1x1xf32>
    %gt3A = arith.constant 5.000000e-01 : f32
    %gt3A_27 = vector.broadcast %gt3A : f32 to vector<1x5120xf32>
    %gt3A_28 = arith.cmpf ogt, %get3A_7, %gt3A_27 : vector<1x5120xf32>
    %jit3A = arith.constant 0xFF800000 : f32
    %broadcast_in_dim3A = vector.shape_cast %gt3A_28 : vector<1x5120xi1> to vector<1x5120xi1>
    %broadcast_in_dim3A_29 = vector.broadcast %broadcast_in_dim3A : vector<1x5120xi1> to vector<21x5120xi1>
    %broadcast_in_dim3A_30 = vector.broadcast %jit3A : f32 to vector<21x5120xf32>
    %select_n3A = arith.select %broadcast_in_dim3A_29, %get3A_10, %broadcast_in_dim3A_30 : vector<21x5120xi1>, vector<21x5120xf32>
    %reduce_max3A = arith.constant dense<0xFF800000> : vector<21xf32>
    %reduce_max3A_31 = vector.multi_reduction <maximumf>, %select_n3A, %reduce_max3A [1] : vector<21x5120xf32> to vector<21xf32>
    %broadcast_in_dim3A_32 = vector.shape_cast %reduce_max3A_31 : vector<21xf32> to vector<21x1xf32>
    %iota3A_33 = tpu.iota {dimensions = array<i32: 1>} : vector<21x5120xi32>
    %eq3A = vector.broadcast %broadcast_in_dim3A_32 : vector<21x1xf32> to vector<21x5120xf32>
    %eq3A_34 = arith.cmpf oeq, %select_n3A, %eq3A : vector<21x5120xf32>
    %jit3A_35 = arith.constant 1073741824 : i32
    %broadcast_in_dim3A_36 = vector.broadcast %jit3A_35 : i32 to vector<21x5120xi32>
    %select_n3A_37 = arith.select %eq3A_34, %iota3A_33, %broadcast_in_dim3A_36 : vector<21x5120xi1>, vector<21x5120xi32>
    %reduce_min3A = arith.constant dense<2147483647> : vector<21xi32>
    %reduce_min3A_38 = vector.multi_reduction <minsi>, %select_n3A_37, %reduce_min3A [1] : vector<21x5120xi32> to vector<21xi32>
    %broadcast_in_dim3A_39 = vector.shape_cast %reduce_min3A_38 : vector<21xi32> to vector<21x1xi32>
    %eq3A_40 = vector.broadcast %broadcast_in_dim3A_39 : vector<21x1xi32> to vector<21x5120xi32>
    %eq3A_41 = arith.cmpi eq, %iota3A_33, %eq3A_40 : vector<21x5120xi32>
    %convert_element_type3A_42 = arith.extui %eq3A_41 : vector<21x5120xi1> to vector<21x5120xi32>
    %convert_element_type3A_43 = arith.sitofp %convert_element_type3A_42 : vector<21x5120xi32> to vector<21x5120xf32>
    %get3A_44 = arith.constant 0 : index
    %get3A_45 = arith.constant 0 : index
    %get3A_46 = vector.load %arg4[%get3A_44, %get3A_45] : memref<1x5120xf32, #tpu.memory_space<vmem>>, vector<1x5120xf32>
    %mul3A_47 = vector.broadcast %get3A_46 : vector<1x5120xf32> to vector<21x5120xf32>
    %mul3A_48 = arith.mulf %convert_element_type3A_43, %mul3A_47 : vector<21x5120xf32>
    %reduce_sum3A_49 = arith.constant dense<0.000000e+00> : vector<21xf32>
    %reduce_sum3A_50 = vector.multi_reduction <add>, %mul3A_48, %reduce_sum3A_49 [1] : vector<21x5120xf32> to vector<21xf32>
    %broadcast_in_dim3A_51 = vector.shape_cast %reduce_sum3A_50 : vector<21xf32> to vector<21x1xf32>
    %get3A_52 = arith.constant 0 : index
    %get3A_53 = arith.constant 0 : index
    %get3A_54 = vector.load %arg5[%get3A_52, %get3A_53] : memref<1x5120xf32, #tpu.memory_space<vmem>>, vector<1x5120xf32>
    %mul3A_55 = vector.broadcast %get3A_54 : vector<1x5120xf32> to vector<21x5120xf32>
    %mul3A_56 = arith.mulf %convert_element_type3A_43, %mul3A_55 : vector<21x5120xf32>
    %reduce_sum3A_57 = arith.constant dense<0.000000e+00> : vector<21xf32>
    %reduce_sum3A_58 = vector.multi_reduction <add>, %mul3A_56, %reduce_sum3A_57 [1] : vector<21x5120xf32> to vector<21xf32>
    %broadcast_in_dim3A_59 = vector.shape_cast %reduce_sum3A_58 : vector<21xf32> to vector<21x1xf32>
    %get3A_60 = arith.constant 0 : index
    %get3A_61 = arith.constant 0 : index
    %get3A_62 = vector.load %arg6[%get3A_60, %get3A_61] : memref<1x5120xf32, #tpu.memory_space<vmem>>, vector<1x5120xf32>
    %mul3A_63 = vector.broadcast %get3A_62 : vector<1x5120xf32> to vector<21x5120xf32>
    %mul3A_64 = arith.mulf %convert_element_type3A_43, %mul3A_63 : vector<21x5120xf32>
    %reduce_sum3A_65 = arith.constant dense<0.000000e+00> : vector<21xf32>
    %reduce_sum3A_66 = vector.multi_reduction <add>, %mul3A_64, %reduce_sum3A_65 [1] : vector<21x5120xf32> to vector<21xf32>
    %broadcast_in_dim3A_67 = vector.shape_cast %reduce_sum3A_66 : vector<21xf32> to vector<21x1xf32>
    %get3A_68 = arith.constant 0 : index
    %get3A_69 = arith.constant 0 : index
    %get3A_70 = vector.load %arg7[%get3A_68, %get3A_69] : memref<1x5120xf32, #tpu.memory_space<vmem>>, vector<1x5120xf32>
    %mul3A_71 = vector.broadcast %get3A_70 : vector<1x5120xf32> to vector<21x5120xf32>
    %mul3A_72 = arith.mulf %convert_element_type3A_43, %mul3A_71 : vector<21x5120xf32>
    %reduce_sum3A_73 = arith.constant dense<0.000000e+00> : vector<21xf32>
    %reduce_sum3A_74 = vector.multi_reduction <add>, %mul3A_72, %reduce_sum3A_73 [1] : vector<21x5120xf32> to vector<21xf32>
    %broadcast_in_dim3A_75 = vector.shape_cast %reduce_sum3A_74 : vector<21xf32> to vector<21x1xf32>
    %get3A_76 = arith.constant 0 : index
    %get3A_77 = arith.constant 0 : index
    %get3A_78 = vector.load %arg8[%get3A_76, %get3A_77] : memref<1x4xf32, #tpu.memory_space<vmem>>, vector<1x1xf32>
    %get3A_79 = arith.constant 0 : index
    %get3A_80 = arith.constant 1 : index
    %get3A_81 = vector.load %arg8[%get3A_79, %get3A_80] : memref<1x4xf32, #tpu.memory_space<vmem>>, vector<1x1xf32>
    %get3A_82 = arith.constant 0 : index
    %get3A_83 = arith.constant 2 : index
    %get3A_84 = vector.load %arg8[%get3A_82, %get3A_83] : memref<1x4xf32, #tpu.memory_space<vmem>>, vector<1x1xf32>
    %get3A_85 = arith.constant 0 : index
    %get3A_86 = arith.constant 3 : index
    %get3A_87 = vector.load %arg8[%get3A_85, %get3A_86] : memref<1x4xf32, #tpu.memory_space<vmem>>, vector<1x1xf32>
    %sub3A_88 = vector.broadcast %get3A_78 : vector<1x1xf32> to vector<21x1xf32>
    %sub3A_89 = arith.subf %broadcast_in_dim3A_51, %sub3A_88 : vector<21x1xf32>
    %abs3A = math.absf %sub3A_89 : vector<21x1xf32>
    %lt3A_90 = arith.constant 1.000000e+00 : f32
    %lt3A_91 = vector.broadcast %lt3A_90 : f32 to vector<21x1xf32>
    %lt3A_92 = arith.cmpf olt, %abs3A, %lt3A_91 : vector<21x1xf32>
    %mul3A_93 = arith.constant 5.000000e-01 : f32
    %mul3A_94 = vector.broadcast %mul3A_93 : f32 to vector<21x1xf32>
    %mul3A_95 = arith.mulf %mul3A_94, %sub3A_89 : vector<21x1xf32>
    %mul3A_96 = arith.mulf %mul3A_95, %sub3A_89 : vector<21x1xf32>
    %sub3A_97 = arith.constant 5.000000e-01 : f32
    %sub3A_98 = vector.broadcast %sub3A_97 : f32 to vector<21x1xf32>
    %sub3A_99 = arith.subf %abs3A, %sub3A_98 : vector<21x1xf32>
    %select_n3A_100 = arith.select %lt3A_92, %mul3A_96, %sub3A_99 : vector<21x1xi1>, vector<21x1xf32>
    %reduce_sum3A_101 = vector.shape_cast %select_n3A_100 : vector<21x1xf32> to vector<1x21x1xf32>
    %reduce_sum3A_102 = arith.constant dense<0.000000e+00> : vector<1xf32>
    %reduce_sum3A_103 = vector.multi_reduction <add>, %reduce_sum3A_101, %reduce_sum3A_102 [1, 2] : vector<1x21x1xf32> to vector<1xf32>
    %reduce_sum3A_104 = vector.shape_cast %reduce_sum3A_103 : vector<1xf32> to vector<1x1x1xf32>
    %reduce_sum3A_105 = vector.extract %reduce_sum3A_104[0, 0, 0] : f32 from vector<1x1x1xf32>
    %sub3A_106 = vector.broadcast %get3A_81 : vector<1x1xf32> to vector<21x1xf32>
    %sub3A_107 = arith.subf %broadcast_in_dim3A_59, %sub3A_106 : vector<21x1xf32>
    %abs3A_108 = math.absf %sub3A_107 : vector<21x1xf32>
    %lt3A_109 = arith.constant 1.000000e+00 : f32
    %lt3A_110 = vector.broadcast %lt3A_109 : f32 to vector<21x1xf32>
    %lt3A_111 = arith.cmpf olt, %abs3A_108, %lt3A_110 : vector<21x1xf32>
    %mul3A_112 = arith.constant 5.000000e-01 : f32
    %mul3A_113 = vector.broadcast %mul3A_112 : f32 to vector<21x1xf32>
    %mul3A_114 = arith.mulf %mul3A_113, %sub3A_107 : vector<21x1xf32>
    %mul3A_115 = arith.mulf %mul3A_114, %sub3A_107 : vector<21x1xf32>
    %sub3A_116 = arith.constant 5.000000e-01 : f32
    %sub3A_117 = vector.broadcast %sub3A_116 : f32 to vector<21x1xf32>
    %sub3A_118 = arith.subf %abs3A_108, %sub3A_117 : vector<21x1xf32>
    %select_n3A_119 = arith.select %lt3A_111, %mul3A_115, %sub3A_118 : vector<21x1xi1>, vector<21x1xf32>
    %reduce_sum3A_120 = vector.shape_cast %select_n3A_119 : vector<21x1xf32> to vector<1x21x1xf32>
    %reduce_sum3A_121 = arith.constant dense<0.000000e+00> : vector<1xf32>
    %reduce_sum3A_122 = vector.multi_reduction <add>, %reduce_sum3A_120, %reduce_sum3A_121 [1, 2] : vector<1x21x1xf32> to vector<1xf32>
    %reduce_sum3A_123 = vector.shape_cast %reduce_sum3A_122 : vector<1xf32> to vector<1x1x1xf32>
    %reduce_sum3A_124 = vector.extract %reduce_sum3A_123[0, 0, 0] : f32 from vector<1x1x1xf32>
    %add3A_125 = arith.addf %reduce_sum3A_105, %reduce_sum3A_124 : f32
    %sub3A_126 = vector.broadcast %get3A_84 : vector<1x1xf32> to vector<21x1xf32>
    %sub3A_127 = arith.subf %broadcast_in_dim3A_67, %sub3A_126 : vector<21x1xf32>
    %abs3A_128 = math.absf %sub3A_127 : vector<21x1xf32>
    %lt3A_129 = arith.constant 1.000000e+00 : f32
    %lt3A_130 = vector.broadcast %lt3A_129 : f32 to vector<21x1xf32>
    %lt3A_131 = arith.cmpf olt, %abs3A_128, %lt3A_130 : vector<21x1xf32>
    %mul3A_132 = arith.constant 5.000000e-01 : f32
    %mul3A_133 = vector.broadcast %mul3A_132 : f32 to vector<21x1xf32>
    %mul3A_134 = arith.mulf %mul3A_133, %sub3A_127 : vector<21x1xf32>
    %mul3A_135 = arith.mulf %mul3A_134, %sub3A_127 : vector<21x1xf32>
    %sub3A_136 = arith.constant 5.000000e-01 : f32
    %sub3A_137 = vector.broadcast %sub3A_136 : f32 to vector<21x1xf32>
    %sub3A_138 = arith.subf %abs3A_128, %sub3A_137 : vector<21x1xf32>
    %select_n3A_139 = arith.select %lt3A_131, %mul3A_135, %sub3A_138 : vector<21x1xi1>, vector<21x1xf32>
    %reduce_sum3A_140 = vector.shape_cast %select_n3A_139 : vector<21x1xf32> to vector<1x21x1xf32>
    %reduce_sum3A_141 = arith.constant dense<0.000000e+00> : vector<1xf32>
    %reduce_sum3A_142 = vector.multi_reduction <add>, %reduce_sum3A_140, %reduce_sum3A_141 [1, 2] : vector<1x21x1xf32> to vector<1xf32>
    %reduce_sum3A_143 = vector.shape_cast %reduce_sum3A_142 : vector<1xf32> to vector<1x1x1xf32>
    %reduce_sum3A_144 = vector.extract %reduce_sum3A_143[0, 0, 0] : f32 from vector<1x1x1xf32>
    %add3A_145 = arith.addf %add3A_125, %reduce_sum3A_144 : f32
    %sub3A_146 = vector.broadcast %get3A_87 : vector<1x1xf32> to vector<21x1xf32>
    %sub3A_147 = arith.subf %broadcast_in_dim3A_75, %sub3A_146 : vector<21x1xf32>
    %abs3A_148 = math.absf %sub3A_147 : vector<21x1xf32>
    %lt3A_149 = arith.constant 1.000000e+00 : f32
    %lt3A_150 = vector.broadcast %lt3A_149 : f32 to vector<21x1xf32>
    %lt3A_151 = arith.cmpf olt, %abs3A_148, %lt3A_150 : vector<21x1xf32>
    %mul3A_152 = arith.constant 5.000000e-01 : f32
    %mul3A_153 = vector.broadcast %mul3A_152 : f32 to vector<21x1xf32>
    %mul3A_154 = arith.mulf %mul3A_153, %sub3A_147 : vector<21x1xf32>
    %mul3A_155 = arith.mulf %mul3A_154, %sub3A_147 : vector<21x1xf32>
    %sub3A_156 = arith.constant 5.000000e-01 : f32
    %sub3A_157 = vector.broadcast %sub3A_156 : f32 to vector<21x1xf32>
    %sub3A_158 = arith.subf %abs3A_148, %sub3A_157 : vector<21x1xf32>
    %select_n3A_159 = arith.select %lt3A_151, %mul3A_155, %sub3A_158 : vector<21x1xi1>, vector<21x1xf32>
    %reduce_sum3A_160 = vector.shape_cast %select_n3A_159 : vector<21x1xf32> to vector<1x21x1xf32>
    %reduce_sum3A_161 = arith.constant dense<0.000000e+00> : vector<1xf32>
    %reduce_sum3A_162 = vector.multi_reduction <add>, %reduce_sum3A_160, %reduce_sum3A_161 [1, 2] : vector<1x21x1xf32> to vector<1xf32>
    %reduce_sum3A_163 = vector.shape_cast %reduce_sum3A_162 : vector<1xf32> to vector<1x1x1xf32>
    %reduce_sum3A_164 = vector.extract %reduce_sum3A_163[0, 0, 0] : f32 from vector<1x1x1xf32>
    %add3A_165 = arith.addf %add3A_145, %reduce_sum3A_164 : f32
    %div3A = arith.divf %add3A_165, %reduce_sum3A_26 : f32
    %reduce_max3A_166 = vector.shape_cast %get3A_1 : vector<40x128xf32> to vector<1x40x128xf32>
    %reduce_max3A_167 = arith.constant dense<0xFF800000> : vector<1xf32>
    %reduce_max3A_168 = vector.multi_reduction <maximumf>, %reduce_max3A_166, %reduce_max3A_167 [1, 2] : vector<1x40x128xf32> to vector<1xf32>
    %reduce_max3A_169 = vector.shape_cast %reduce_max3A_168 : vector<1xf32> to vector<1x1x1xf32>
    %reduce_max3A_170 = vector.extract %reduce_max3A_169[0, 0, 0] : f32 from vector<1x1x1xf32>
    %gt3A_171 = arith.constant 0.000000e+00 : f32
    %gt3A_172 = arith.cmpf ogt, %reduce_max3A_170, %gt3A_171 : f32
    %reduce_max3A_173 = vector.shape_cast %get3A_4 : vector<40x128xf32> to vector<1x40x128xf32>
    %reduce_max3A_174 = arith.constant dense<0xFF800000> : vector<1xf32>
    %reduce_max3A_175 = vector.multi_reduction <maximumf>, %reduce_max3A_173, %reduce_max3A_174 [1, 2] : vector<1x40x128xf32> to vector<1xf32>
    %reduce_max3A_176 = vector.shape_cast %reduce_max3A_175 : vector<1xf32> to vector<1x1x1xf32>
    %reduce_max3A_177 = vector.extract %reduce_max3A_176[0, 0, 0] : f32 from vector<1x1x1xf32>
    %gt3A_178 = arith.constant 0.000000e+00 : f32
    %gt3A_179 = arith.cmpf ogt, %reduce_max3A_177, %gt3A_178 : f32
    %and3A = arith.andi %gt3A_172, %gt3A_179 : i1
    %jit3A_180 = arith.constant 1.000000e-03 : f32
    %select_n3A_181 = arith.select %and3A, %div3A, %jit3A_180 : f32
    %broadcast_in_dim3A_182 = vector.broadcast %select_n3A_181 : f32 to vector<1x1xf32>
    %swap3A = arith.constant 0 : index
    %swap3A_183 = arith.constant 0 : index
    %swap3A_184 = vector.load %arg9[%swap3A, %swap3A_183] : memref<1x1xf32, #tpu.memory_space<vmem>>, vector<1x1xf32>
    tpu.vector_store %arg9[%swap3A, %swap3A_183], %broadcast_in_dim3A_182 {strides = array<i32>} : memref<1x1xf32, #tpu.memory_space<vmem>>, vector<1x1xf32>,
    return
  }
}

</mosaic_0001>

<sc_bundles>
// kernel: kernel.5.cloned.1.call-start
scs
__scs_entry_jumppad:
0x0: {  	(pc) =	sbr.rel $0x88, $3  }
0x1: {  	(tag) =	ssettag $0x0;
	lr =	simm.s32 $0x1  }
0x2: {  	[smem:$0x3F9E] =	sst lr;
	_ =	strace $0xD0000000  }
0x3: {  	_ = 	snop  }
0x4: {  	_ = 	snop  }
0x5: {  	_ = 	snop  }
0x6: {  	_ = 	snop  }
0x7: {  	_ = 	snop  }
__scs_overlays_trampoline_lowered:
0x8: {  	[smem:$0x3FAD] =	sst s0  }
0x9: {  	[smem:$0x3FAE] =	sst s1  }
0xa: {  	[smem:$0x3FAF] =	sst s2  }
0xb: {  	[smem:$0x3FB0] =	sst s3  }
0xc: {  	[smem:$0x3FB1] =	sst s4  }
0xd: {  	[smem:$0x3FB2] =	sst s5  }
0xe: {  	[smem:$0x3FB3] =	sst s6  }
0xf: {  	[smem:$0x3FB4] =	sst s7  }
0x10: {  	[smem:$0x3FB5] =	sst s8  }
0x11: {  	[smem:$0x3FB6] =	sst s9;
	s0 =	simm.s32 @!p0 $0x0  }
0x12: {  	s1 =	sld [smem:$0x3F9C];
	s0 =	simm.s32 @p0 $0x1  }
0x13: {  	[smem:$0x3FB7] =	sst s0;
	s0 =	simm.s32 @!p1 $0x0  }
0x14: {  	s2 =	sld [smem:$0x3F9B];
	s0 =	simm.s32 @p1 $0x1  }
0x15: {  	[smem:$0x3FB8] =	sst s0;
	s0 =	simm.s32 @!p2 $0x0  }
0x16: {  	s3 =	sld [smem:$0x3FDB];
	s0 =	simm.s32 @p2 $0x1  }
0x17: {  	s4 =	simm.s32 $0x1BF5;
	[smem:$0x3FBA] =	sst s0  }
0x18: {  	s0 =	sld [smem:$0x3F9D];
	_ =	swait.ge [sflag:s4], $0x0  }
0x19: {  	s7 =	sld [smem:$0x3F9E]  }
0x1a: {  	s8 =	sadd.s32 $0xFFFFE003, lr  }
0x1b: {  	s9 =	sadd.s32 $0xFFFFFEF7, lr;
	s5 =	simm.s32 $0xFFFFFFFF;
	p2 =	slt.u32 s8, $0xFFFFF086  }
0x1c: {  	p1 =	slt.u32 s9, $0xF7A;
	s5 =	simm.s32 @!p2 $0x0  }
0x1d: {  	s5 =	simm.s32 @p1 $0x1;
	p0 =	seq.s32 s7, s2  }
0x1e: {  	s7 =	smul.u32 @!p0 $0xF7A, s2;
	p2 =	seq.s32 @!p0 s5, $0x0  }
0x1f: {  	s9 =	smul.u32 $0xF7A, s1;
	s8 =	simm.s32 @!p0 $0x1BF5;
	p2 =	por !p2, p0  }
0x20: {  	[sflag:s8] =	ssyncset.s32 @!p0 $0xFFFFF086;
	s6 =	sadd.s32 @!p0 s3, s7;
	s7 =	simm.s32 @!p0 $0x108  }
0x21: {  	s3 =	sadd.s32 s3, s9;
	s6 =	sadd.s32 @!p0 $0x88, s6;
	s7 =	simm.s32 @p2 $0x1082  }
0x22: {  	[simem:s7], [sflag:s8] =	dma.local @!p0 [hbm:s6], $0xF7A  }
0x23: {  	s9 =	sor.u32 $0xD0000000, s2;
	s6 =	simm.s32 $0x108;
	_ =	swait.ge @!p0 [sflag:s8], $0x0  }
0x24: {  	s3 =	sadd.s32 $0x88, s3;
	s6 =	simm.s32 @!p1 $0x1082;
	[sflag:s4] =	ssyncset.s32 $0xFFFFF086  }
0x25: {  	[simem:s6], [sflag:s4] =	dma.local [hbm:s3], $0xF7A  }
0x26: {  	[smem:$0x3F9E] =	sst s1;
	(tag) =	ssettag s2;
	_ =	strace s9  }
0x27: {  	s1 =	sld [smem:$0x3FAE]  }
0x28: {  	s2 =	sld [smem:$0x3FAF]  }
0x29: {  	s4 =	sld [smem:$0x3FB1]  }
0x2a: {  	p0 =	seq.s32 s5, $0x0;
	s5 =	sld [smem:$0x3FB2]  }
0x2b: {  	s6 =	sld [smem:$0x3FB3]  }
0x2c: {  	s7 =	sld [smem:$0x3FB4]  }
0x2d: {  	s3 =	simm.s32 $0x108;
	s8 =	sld [smem:$0x3FB5]  }
0x2e: {  	s3 =	simm.s32 @!p0 $0x1082;
	s9 =	sld [smem:$0x3FB6]  }
0x2f: {  	lr =	sadd.s32 s0, s3;
	s0 =	sld [smem:$0x3FAD]  }
0x30: {  	s3 =	sld [smem:$0x3FB0]  }
0x31: {  	[smem:$0x3FB9] =	sst s10  }
0x32: {  	s10 =	sld [smem:$0x3FB7];
	_ =	sdelay $0x3  }
0x33: {  	p0 =	seq.s32 s10, $0x1;
	s10 =	sld [smem:$0x3FB9];
	_ =	sdelay $0x3  }
0x34: {  	[smem:$0x3FB9] =	sst s10  }
0x35: {  	s10 =	sld [smem:$0x3FB8];
	_ =	sdelay $0x3  }
0x36: {  	p1 =	seq.s32 s10, $0x1;
	s10 =	sld [smem:$0x3FB9];
	_ =	sdelay $0x3  }
0x37: {  	[smem:$0x3FB9] =	sst s10  }
0x38: {  	s10 =	sld [smem:$0x3FBA]  }
0x39: {  	_ = 	snop;
	(pc) =	sbr.ind lr, $3  }
0x3a: {  	_ = 	snop  }
0x3b: {  	_ = 	snop  }
0x3c: {  	p2 =	seq.s32 s10, $0x1;
	s10 =	sld [smem:$0x3FB9]  }
0x3d: {  	_ =	shalt  }
0x3e: {  	_ =	shalt  }
0x3f: {  	_ =	shalt  }
0x40: {  	_ =	shalt  }
0x41: {  	_ =	shalt  }
0x42: {  	_ =	shalt  }
0x43: {  	_ =	shalt  }
0x44: {  	_ =	shalt  }
0x45: {  	_ =	shalt  }
0x46: {  	_ =	shalt  }
0x47: {  	_ =	shalt  }
0x48: {  	_ =	shalt  }
0x49: {  	_ =	shalt  }
0x4a: {  	_ =	shalt  }
0x4b: {  	_ =	shalt  }
0x4c: {  	_ =	shalt  }
0x4d: {  	_ =	shalt  }
0x4e: {  	_ =	shalt  }
0x4f: {  	_ =	shalt  }
0x50: {  	_ =	shalt  }
0x51: {  	_ =	shalt  }
0x52: {  	_ =	shalt  }
0x53: {  	_ =	shalt  }
0x54: {  	_ =	shalt  }
0x55: {  	_ =	shalt  }
0x56: {  	_ =	shalt  }
0x57: {  	_ =	shalt  }
0x58: {  	_ =	shalt  }
0x59: {  	_ =	shalt  }
0x5a: {  	_ =	shalt  }
0x5b: {  	_ =	shalt  }
0x5c: {  	_ =	shalt  }
0x5d: {  	_ =	shalt  }
0x5e: {  	_ =	shalt  }
0x5f: {  	_ =	shalt  }
0x60: {  	_ =	shalt  }
0x61: {  	_ =	shalt  }
0x62: {  	_ =	shalt  }
0x63: {  	_ =	shalt  }
0x64: {  	_ =	shalt  }
0x65: {  	_ =	shalt  }
0x66: {  	_ =	shalt  }
0x67: {  	_ =	shalt  }
0x68: {  	_ =	shalt  }
0x69: {  	_ =	shalt  }
0x6a: {  	_ =	shalt  }
0x6b: {  	_ =	shalt  }
0x6c: {  	_ =	shalt  }
0x6d: {  	_ =	shalt  }
0x6e: {  	_ =	shalt  }
0x6f: {  	_ =	shalt  }
0x70: {  	_ =	shalt  }
0x71: {  	_ =	shalt  }
0x72: {  	_ =	shalt  }
0x73: {  	_ =	shalt  }
0x74: {  	_ =	shalt  }
0x75: {  	_ =	shalt  }
0x76: {  	_ =	shalt  }
0x77: {  	_ =	shalt  }
0x78: {  	_ =	shalt  }
0x79: {  	_ =	shalt  }
0x7a: {  	_ =	shalt  }
0x7b: {  	_ =	shalt  }
0x7c: {  	_ =	shalt  }
0x7d: {  	_ =	shalt  }
0x7e: {  	_ =	shalt  }
0x7f: {  	_ =	shalt  }
0x80: {  	_ =	shalt  }
0x81: {  	_ =	shalt  }
0x82: {  	_ =	shalt  }
0x83: {  	_ =	shalt  }
0x84: {  	_ =	shalt  }
0x85: {  	_ =	shalt  }
0x86: {  	_ =	shalt  }
0x87: {  	_ =	shalt  }
.Lfunc_end0:
.L_simem_size_0:
called_computation_lowered:
.L_overlay_start_0:
0x88: {  	s2 =	sld [smem:$0x3FD9]  }
0x89: {  	s3 =	sld [smem:$0x3FFE];
	_ =	sdelay $0x1  }
0x8a: {  	s1 =	srdreg.scid  }
0x8b: {  	s0 =	sand.u32 $0x1, s1  }
0x8c: {  	s16 =	sshll.u32 s0, $0xA;
	s2 =	sadd.s32 s3, s2  }
0x8d: {  	s2 =	sadd.s32 s2, s16  }
0x8e: {  	[smem:$0x3FC5] =	sst s2  }
0x8f: {  	_ = 	snop  }
0x90: {  	(tm) =	ssettm $0x1  }
0x91: {  	s17 =	sld [smem:$0x3FFB];
	_ =	sdelay $0x3  }
0x92: {  	_ =	strace s17  }
0x93: {  	s2 =	sld [smem:$0x3FFC];
	_ =	sdelay $0x3  }
0x94: {  	_ =	strace s2  }
0x95: {  	s2 =	sld [smem:$0x3FFD];
	_ =	sdelay $0x3  }
0x96: {  	_ =	strace s2  }
0x97: {  	_ =	strace $0x8FFFFFFF  }
0x98: {  	s18 =	sld [smem:$0x3FDB];
	_ =	sdelay $0x1  }
0x99: {  	s19 =	simm.s32 $_scs_section_size  }
0x9a: {  	s4 =	simm.s32 $_size__tile_overlayer_lowered;
	s5 =	simm.s32 $_tile_overlayer_lowered  }
0x9b: {  	s22 =	simm.s32 $0x1BFF;
	s21 =	sshll.u32 s5, $0x1;
	s2 =	sadd.s32 s19, s18  }
0x9c: {  	s6 =	simm.s32 $0x0;
	s20 =	sshll.u32 s4, $0x1;
	s4 =	sadd.s32 s21, s2  }
0x9d: {  	[timem:s6], [sflag:s22] =	dma.local [hbm:s4], s20  }
0x9e: {  	_ =	swait.ge [sflag:s22], s20  }
0x9f: {  	s3 =	ssub.s32 $0x0, s20;
	[sflag:s22] =	ssyncset.done $0x0  }
0xa0: {  	[sflag:s22] =	ssyncadd.s32 s3;
	_ =	sdelay $0x1  }
0xa1: {  	s23 =	simm.s32 $0x1B8B  }
0xa2: {  	_ =	swait.ge [sflag:s23], $0x1  }
0xa3: {  	[sflag:s23] =	ssyncset.done $0x0  }
0xa4: {  	s25 =	simm.s32 $0x1B8E;
	s24 =	sld [smem:$0x3FFE];
	[sflag:s23] =	ssyncadd.s32 $0xFFFFFFFF  }
0xa5: {  	s26 =	simm.s32 $execute0_lowered;
	[smem:$0x3FD2] =	sst s25  }
0xa6: {  	s4 =	sshll.u32 s26, $0x1;
	_ =	strace $0x80000046;
	[dreg:$0x1] =	wrdreg $0xFFFFFFFF  }
0xa7: {  	s28 =	simm.s32 $_size_execute0_lowered;
	s2 =	sadd.s32 s2, s4;
	[dreg:$0x0] =	wrdreg $0x0  }
0xa8: {  	s4 =	sshll.u32 s28, $0x1;
	[dreg:$0x2] =	wrdreg s2  }
0xa9: {  	[dreg:$0x3] =	wrdreg s4  }
0xaa: {  	[dreg:$0x4] =	wrdreg $0xC0  }
0xab: {  	_ =	task [dreg:s6], $0x5FFFF  }
0xac: {  	[dreg:$0x1] =	wrdreg $0xFFFFFFFF  }
0xad: {  	[dreg:$0x0] =	wrdreg $0x60  }
0xae: {  	[dreg:$0x2] =	wrdreg s24  }
0xaf: {  	[dreg:$0x3] =	wrdreg $0x68800  }
0xb0: {  	[dreg:$0x4] =	wrdreg $0x9  }
0xb1: {  	_ =	task.clear_ibuf [dreg:s6], $0x5FFFF;
	_ =	strace $0x90000046  }
0xb2: {  	s29 =	simm.s32 $0x9;
	_ =	strace $0x80000048  }
0xb3: {  	_ =	swait.ge [sflag:s29], $0x1  }
0xb4: {  	[sflag:s29] =	ssyncadd.s32 $0xFFFFFFFF  }
0xb5: {  	_ =	strace $0x90000048  }
0xb6: {  	_ =	sfence  }
0xb7: {  	s30 =	sld [smem:$0x0];
	_ =	sdelay $0x2  }
0xb8: {  	s31 =	sshll.u32 s1, $0xD;
	s1 =	sshrl.u32 s1, $0x2  }
0xb9: {  	s3 =	sand.u32 $0x4000, s31;
	s1 =	sadd.s32 s1, s30  }
0xba: {  	s0 =	sor.u32 s3, s0;
	s1 =	sshll.u32 s1, $0x11  }
0xbb: {  	s0 =	sor.u32 s1, s0  }
0xbc: {  	s0 =	sadd.s32 $0x8F2B, s0  }
0xbd: {  	[sflag:s0] =	ssyncadd.remote.s32 $0x1  }
0xbe: {  	_ =	sfence.sel $0xFFFF  }
0xbf: {  	[dreg:$0x0] =	wrdreg $0xFFFFFFFF;
	(pc) =	sbr.abs _section_cstart, $3  }
0xc0: {  	[dreg:$0x1] =	wrdreg $0xFFFFFFFF  }
0xc1: {  	_ =	task.clear_ibuf [dreg:s6], $0x2FFFF;
	_ =	strace $0x9FFFFFFF  }
0xc2: {  	(tm) =	ssettm $0x7FFFFFFF  }
0xc3: {  	_ =	shalt  }
tec
execute0_lowered:
.L_overlay_start_1:
0x0: {  	(tag) =	ssettag $0x1  }
0x1: {  	s0 =	rddreg [dreg:$0x0]  }
0x2: {  	s1 =	rddreg [dreg:$0x1];
	s2 =	simm.s32 $0x0  }
0x3: {  	s9 =	stileid.u32;
	s21 =	srdreg.scid;
	s15 =	simm.s32 $0x1  }
0x4: {  	s16 =	simm.s32 $0x1400;
	s17 =	simm.s32 $0x2800;
	s18 =	simm.s32 $0x3C00  }
0x5: {  	s19 =	simm.s32 $0x5000;
	[smem:$0x7FF] =	sst s2;
	s3 =	sadd.s32 $0x3400, s0  }
0x6: {  	s20 =	sadd.s32 $0x2000, s0;
	_ =	strace $0x80000047;
	[dreg:$0x3] =	wrdreg s3  }
0x7: {  	s4 =	sadd.s32 $0x2400, s0;
	s7 =	smul.u32 $0x140, s9;
	[dreg:$0x4] =	wrdreg s20  }
0x8: {  	s22 =	sadd.s32 $0x2800, s0;
	s23 =	sadd.s32 $0x3000, s0;
	[dreg:$0x5] =	wrdreg s4  }
0x9: {  	s8 =	smul.u32 $0x500, s9;
	s10 =	sshll.u32 s9, $0x3;
	[dreg:$0x6] =	wrdreg s22  }
0xa: {  	s3 =	sand.u32 $0x1, s21;
	[dreg:$0x7] =	wrdreg s23;
	s25 =	sadd.s32 s10, s1  }
0xb: {  	s21 =	simm.s32 $0x6700;
	s22 =	simm.s32 $0x6780;
	s23 =	simm.s32 $0x6580  }
0xc: {  	v0 =	vlaneseq.u32;
	s24 =	ssub.s32 $0x2, s3;
	s5 =	sshrl.u32 s7, $0x3;
	[dreg:$0x9] =	wrdreg s25  }
0xd: {  	v2 =	vimm.f32 $0.0e+00;
	vm0 =	vcmask $0xF0C;
	vm1 =	vcmask $0x3F0C;
	s26 =	sshrl.u32 s8, $0x2;
	p0 =	sne.s32 s3, $0x0;
	s6 =	sshrl.u32 s24, $0x1  }
.Ltmp0:
0xe: {  	vm2 =	vcmask $0x3F08;
	vm3 =	vcmask $0x3F04;
	v3 =	vmul.u32 $0x8, v0;
	s0 =	sadd.s32 s5, s0;
	s29 =	sadd.s32 $0x1400, s26;
	(pc) =	sbr.rel .LBB2_1-.Ltmp0, $4  }
0xf: {  	vm4 =	vmmov $0xffff;
	vm5 =	vmxor vm5, vm5;
	v9 =	vimm.f32 $1.000000000e+00;
	s30 =	sadd.s32 $0x2800, s26;
	s31 =	sadd.s32 $0x3C00, s26;
	s5 =	sadd.s32 $0x2C00, s0  }
0x10: {  	v1 =	vmov s7;
	v4 =	vor.u32 $0x1, v3;
	v6 =	vor.u32 $0x2, v3;
	s4 =	ssub.s32 s24, s6;
	s0 =	sadd.s32 $0x3800, s0;
	[dreg:$0x8] =	wrdreg s5  }
0x11: {  	v7 =	vor.u32 $0x3, v3;
	s8 =	sadd.s32 $0x5000, s26;
	v5 =	vmov s26;
	v8 =	vmov s29;
	[dreg:$0xa] =	wrdreg s0;
	s28 =	smax.u32 s4, $0x1  }
0x12: {  	s25 =	simm.s32 $0x0;
	v10 =	vmov s30;
	v11 =	vmov s31;
	s24 =	simm.s32 $0x6800;
	v12 =	vmov s8;
	[dreg:$0xb] =	wrdreg s28  }
.LBB2_25:
0x13: {  	s0 =	simm.s32 @!p0 $0x0;
	s3 =	simm.s32 @!p0 $0x6580;
	s4 =	rddreg [dreg:$0xa]  }
0x14: {  	[hbm4b:s4+s0] =	stream.linear.scatter @!p0 [tilespmem:s3], [sflag:$0x1], $0x140, $0x38;
	[tilespmem:$0x7310] =	vst v63  }
0x15: {  	s0 =	simm.s32 @!p0 $0x1  }
0x16: {  	_ =	swait.ge @!p0 [sflag:s0], $0x140  }
0x17: {  	s25 =	sadd.s32 $0x1, s25;
	s31 =	rddreg [dreg:$0xb]  }
0x18: {  	p1 =	sne.s32 s25, s31  }
.Ltmp1:
0x19: {  	_ = 	snop;
	(pc) =	sbr.rel @!p1 .LBB2_26-.Ltmp1, $3  }
0x1a: {  	_ =	sdelay $0x1  }
0x1b: {  	[sflag:s0] =	ssyncset.done @!p0 $0x0  }
0x1c: {  	[sflag:s0] =	ssyncadd.s32 @!p0 $0xFFFFFEC0  }
.LBB2_1:
0x1d: {  	s0 =	rddreg [dreg:$0x3]  }
0x1e: {  	[tilespmem:s2], [sflag:$0x1] =	stream.linear.gather [hbm4b:s0+s2], $0x1400, $0x38;
	[tilespmem:$0x7310] =	vst v63  }
0x1f: {  	_ =	swait.ge [sflag:s15], $0x1400  }
0x20: {  	[sflag:s15] =	ssyncset.done $0x0  }
0x21: {  	s14 =	rddreg [dreg:$0x4];
	[sflag:s15] =	ssyncadd.s32 $0xFFFFEC00  }
0x22: {  	[tilespmem:s16], [sflag:$0x1] =	stream.linear.gather [hbm4b:s14+s2], $0x1400, $0x38;
	[tilespmem:$0x7310] =	vst v63  }
0x23: {  	_ =	swait.ge [sflag:s15], $0x1400  }
0x24: {  	[sflag:s15] =	ssyncset.done $0x0  }
0x25: {  	s20 =	rddreg [dreg:$0x5];
	[sflag:s15] =	ssyncadd.s32 $0xFFFFEC00  }
0x26: {  	[tilespmem:s17], [sflag:$0x1] =	stream.linear.gather [hbm4b:s20+s2], $0x1400, $0x38;
	[tilespmem:$0x7310] =	vst v63  }
0x27: {  	_ =	swait.ge [sflag:s15], $0x1400  }
0x28: {  	[sflag:s15] =	ssyncset.done $0x0  }
0x29: {  	s26 =	rddreg [dreg:$0x6];
	[sflag:s15] =	ssyncadd.s32 $0xFFFFEC00  }
0x2a: {  	[tilespmem:s18], [sflag:$0x1] =	stream.linear.gather [hbm4b:s26+s2], $0x1400, $0x38;
	[tilespmem:$0x7310] =	vst v63  }
0x2b: {  	_ =	swait.ge [sflag:s15], $0x1400  }
0x2c: {  	[sflag:s15] =	ssyncset.done $0x0  }
0x2d: {  	s28 =	rddreg [dreg:$0x7];
	[sflag:s15] =	ssyncadd.s32 $0xFFFFEC00  }
0x2e: {  	[tilespmem:s19], [sflag:$0x1] =	stream.linear.gather [hbm4b:s28+s2], $0x1400, $0x38;
	[tilespmem:$0x7310] =	vst v63  }
0x2f: {  	_ =	swait.ge [sflag:s15], $0x1400  }
0x30: {  	[sflag:s15] =	ssyncset.done $0x0  }
0x31: {  	s3 =	simm.s32 $0x6400;
	s29 =	rddreg [dreg:$0x8];
	[sflag:s15] =	ssyncadd.s32 $0xFFFFEC00  }
0x32: {  	[tilespmem:s3], [sflag:$0x1] =	stream.linear.gather [hbm4b:s29+s2], $0x140, $0x38;
	[tilespmem:$0x7310] =	vst v63  }
0x33: {  	_ =	swait.ge [sflag:s15], $0x140  }
0x34: {  	[sflag:s15] =	ssyncset.done $0x0  }
0x35: {  	[sflag:s15] =	ssyncadd.s32 $0xFFFFFEC0  }
0x36: {  	[tilespmem:$0x6580] =	vst v2  }
0x37: {  	[tilespmem:$0x6590] =	vst v2  }
0x38: {  	[tilespmem:$0x65A0] =	vst v2  }
0x39: {  	[tilespmem:$0x65B0] =	vst v2  }
0x3a: {  	[tilespmem:$0x65C0] =	vst v2  }
0x3b: {  	[tilespmem:$0x65D0] =	vst v2  }
0x3c: {  	[tilespmem:$0x65E0] =	vst v2  }
0x3d: {  	[tilespmem:$0x65F0] =	vst v2  }
0x3e: {  	[tilespmem:$0x6600] =	vst v2  }
0x3f: {  	[tilespmem:$0x6610] =	vst v2  }
0x40: {  	[tilespmem:$0x6620] =	vst v2  }
0x41: {  	[tilespmem:$0x6630] =	vst v2  }
0x42: {  	[tilespmem:$0x6640] =	vst v2  }
0x43: {  	[tilespmem:$0x6650] =	vst v2  }
0x44: {  	[tilespmem:$0x6660] =	vst v2  }
0x45: {  	[tilespmem:$0x6670] =	vst v2  }
0x46: {  	[tilespmem:$0x6680] =	vst v2  }
0x47: {  	[tilespmem:$0x6690] =	vst v2  }
0x48: {  	[tilespmem:$0x66A0] =	vst v2  }
0x49: {  	s30 =	simm.s32 $0x0;
	[tilespmem:$0x66B0] =	vst v2  }
0x4a: {  	v13 =	vld [tilespmem:s30+$0x6400];
	_ =	sdelay $0x4  }
0x4b: {  	vm6 =	vlt.f32 v13, $-Inf;
	vm7 =	vgt.f32 v13, $-Inf  }
0x4c: {  	vm6 =	vmor vm7, vm6  }
0x4d: {  	v15 =	vor.u32 s7, v0;
	v14 =	vmpcnt.ones.xlane vm6  }
0x4e: {  	[tilespmem:s2+$0x6890] =	vst.msk vm6, v15  }
0x4f: {  	[tilespmem:s2+$0x6A10] =	vst.msk vm6, v13;
	v14 =	vxor.u32 $0x80000000, v14  }
0x50: {  	v16 =	vld.idx.msk [tilespmem:v5+s30+$0x0 ss:$0x1], $0xffff;
	(xrf0) =	vmax.scan.msk.u32 $0xffff, v14;
	_ =	sdelay $0x4  }
0x51: {  	[tilespmem:s2+$0x6B90] =	vst.msk vm6, v16  }
0x52: {  	v14 =	vld.idx.msk [tilespmem:v8+s30+$0x0 ss:$0x1], $0xffff;
	v16, _, _ =	vpop (xrf0)  }
0x53: {  	(v2sf) =	vpush v16, $0xF;
	_ =	sdelay $0x3  }
0x54: {  	[tilespmem:s2+$0x6D10] =	vst.msk vm6, v14  }
0x55: {  	v14 =	vld.idx.msk [tilespmem:v10+s30+$0x0 ss:$0x1], $0xffff;
	_ =	sdelay $0x4  }
0x56: {  	[tilespmem:s2+$0x6E90] =	vst.msk vm6, v14  }
0x57: {  	v16 =	vld.idx.msk [tilespmem:v11+s30+$0x0 ss:$0x1], $0xffff;
	_ =	sdelay $0x2  }
0x58: {  	v17 =	vimm.f32 $-Inf;
	v13 =	vnsel vm6, $0xFF800000, v13  }
0x59: {  	v18 =	vimm.s32 $0x0;
	vm7 =	vgt.f32 v13, v17;
	s31 =	spop (v2sf)  }
0x5a: {  	s4 =	simm.s32 $0x40;
	s9 =	simm.s32 $0x80;
	v14 =	vsel vm7, v13, v17;
	v13 =	vsel vm7, v15, v18;
	[tilespmem:s2+$0x7010] =	vst.msk vm6, v16;
	s0 =	sadd.s32 $0x0, s31  }
0x5b: {  	s5 =	simm.s32 $0x0;
	s3 =	smov.u32 s7;
	v15 =	vsel vm7, v18, v13;
	v16 =	vsel vm7, v17, v14;
	v17 =	vld.idx.msk [tilespmem:v12+s30+$0x0 ss:$0x1], $0xffff;
	s0 =	sadd.s32 $0x80000000, s0  }
.LBB2_2:
0x5c: {  	_ =	sdelay $0x2  }
0x5d: {  	s6 =	sshra.s32 s4, $0x2;
	s3 =	sadd.s32 $0x10, s3  }
0x5e: {  	s4 =	smov.u32 s9;
	s8 =	sadd.s32 $0x40, s9;
	[tilespmem:s5+$0x7190] =	vst.msk vm6, v17;
	s5 =	smov.u32 s0  }
0x5f: {  	p1 =	sne.s32 s9, $0x4C0;
	v17 =	vld [tilespmem:s6+$0x6400];
	_ =	sdelay $0x4  }
0x60: {  	vm6 =	vlt.f32 v17, $-Inf;
	vm7 =	vgt.f32 v17, $-Inf  }
0x61: {  	v18 =	vor.u32 s3, v0;
	vm6 =	vmor vm7, vm6  }
0x62: {  	[tilespmem:s0+$0x6890] =	vst.msk vm6, v18;
	v19 =	vmpcnt.ones.xlane vm6;
	v20 =	vnsel vm6, $0xFF800000, v17  }
0x63: {  	[tilespmem:s0+$0x6A10] =	vst.msk vm6, v17;
	vm7 =	vgt.f32 v20, v14;
	vm8 =	vgt.f32 v20, v16  }
0x64: {  	v17 =	vld.idx.msk [tilespmem:v5+s6+$0x0 ss:$0x1], $0xffff;
	v19 =	vxor.u32 $0x80000000, v19;
	v16 =	vsel vm8, v20, v16;
	v15 =	vsel vm8, v18, v15  }
0x65: {  	v16 =	vsel vm7, v14, v16;
	v15 =	vsel vm7, v13, v15;
	v14 =	vsel vm7, v20, v14;
	(xrf0) =	vmax.scan.msk.u32 $0xffff, v19  }
0x66: {  	v13 =	vsel vm7, v18, v13;
	_ =	sdelay $0x3  }
0x67: {  	[tilespmem:s0+$0x6B90] =	vst.msk vm6, v17  }
0x68: {  	v17 =	vld.idx.msk [tilespmem:v8+s6+$0x0 ss:$0x1], $0xffff;
	v18, _, _ =	vpop (xrf0)  }
0x69: {  	(v2sf) =	vpush v18, $0xF;
	_ =	sdelay $0x4  }
0x6a: {  	[tilespmem:s0+$0x6D10] =	vst.msk vm6, v17  }
0x6b: {  	v17 =	vld.idx.msk [tilespmem:v10+s6+$0x0 ss:$0x1], $0xffff;
	_ =	sdelay $0x5  }
0x6c: {  	[tilespmem:s0+$0x6E90] =	vst.msk vm6, v17  }
0x6d: {  	v17 =	vld.idx.msk [tilespmem:v11+s6+$0x0 ss:$0x1], $0xffff;
	_ =	sdelay $0x1  }
0x6e: {  	s9 =	spop (v2sf)  }
.Ltmp2:
0x6f: {  	s0 =	sadd.s32 s9, s0;
	(pc) =	sbr.rel @p1 .LBB2_2-.Ltmp2, $3  }
0x70: {  	s0 =	sadd.s32 $0x80000000, s0;
	_ =	sdelay $0x1  }
0x71: {  	[tilespmem:s5+$0x7010] =	vst.msk vm6, v17  }
0x72: {  	s9 =	smov.u32 s8;
	v17 =	vld.idx.msk [tilespmem:v12+s6+$0x0 ss:$0x1], $0xffff  }
0x73: {  	_ =	sdelay $0x3  }
0x74: {  	s4 =	sshra.s32 s4, $0x2;
	[tilespmem:s5+$0x7190] =	vst.msk vm6, v17  }
0x75: {  	v17 =	vld [tilespmem:s4+$0x6400];
	_ =	sdelay $0x4  }
0x76: {  	vm6 =	vlt.f32 v17, $-Inf;
	vm7 =	vgt.f32 v17, $-Inf  }
0x77: {  	vm6 =	vmor vm7, vm6  }
0x78: {  	v18 =	vmpcnt.ones.xlane vm6  }
0x79: {  	v19 =	vnsel vm6, $0xFF800000, v17  }
0x7a: {  	vm7 =	vgt.f32 v19, v14;
	v18 =	vxor.u32 $0x80000000, v18  }
0x7b: {  	v20 =	vsel vm7, v19, v14;
	(xrf0) =	vmax.scan.msk.u32 $0xffff, v18  }
0x7c: {  	(xrf0) =	vmax.scan.msk.f32 $0xffff, v20;
	_ =	sdelay $0x4  }
0x7d: {  	v18, _, _ =	vpop (xrf0)  }
0x7e: {  	s3 =	sadd.s32 $0x10, s3;
	v21, _, _ =	vpop (xrf0)  }
0x7f: {  	v22 =	vor.u32 s3, v0;
	v21 =	vbroadcast v21, $0xF  }
0x80: {  	v23 =	vsel vm7, v22, v13  }
0x81: {  	v24 =	vxor.u32 $0x80000000, v23;
	vm8 =	veq.f32 v20, v21  }
0x82: {  	v24 =	vnsel vm8, $0xC0000000, v24  }
0x83: {  	(xrf0) =	vmin.scan.msk.u32 $0xffff, v24;
	_ =	sdelay $0x5  }
0x84: {  	(v2sf) =	vpush v18, $0xF;
	v18, _, _ =	vpop (xrf0)  }
0x85: {  	(v2sf) =	vpush v18, $0xF;
	_ =	sdelay $0xd  }
0x86: {  	s20 =	spop (v2sf)  }
0x87: {  	s26 =	spop (v2sf)  }
0x88: {  	vm9 =	vgt.f32 v19, v16;
	s5 =	sxor.u32 $0x80000000, s26  }
0x89: {  	v16 =	vsel vm9, v19, v16;
	vm10 =	veq.s32 v23, s5  }
0x8a: {  	v14 =	vsel vm7, v14, v16;
	vm8 =	vmand vm8, vm10  }
0x8b: {  	v14 =	vsel vm8, v14, v20  }
0x8c: {  	(xrf0) =	vmax.scan.msk.f32 $0xffff, v14;
	_ =	sdelay $0x5  }
0x8d: {  	v15 =	vsel vm9, v22, v15;
	v16, _, _ =	vpop (xrf0)  }
0x8e: {  	v13 =	vsel vm7, v13, v15;
	v15 =	vbroadcast v16, $0xF  }
0x8f: {  	v13 =	vsel vm8, v13, v23  }
0x90: {  	v13 =	vxor.u32 $0x80000000, v13;
	vm7 =	veq.f32 v14, v15  }
0x91: {  	[tilespmem:s0+$0x6890] =	vst.msk vm6, v22;
	v13 =	vnsel vm7, $0xC0000000, v13  }
0x92: {  	[tilespmem:s0+$0x6A10] =	vst.msk vm6, v17;
	(xrf0) =	vmin.scan.msk.u32 $0xffff, v13  }
0x93: {  	v13 =	vld.idx.msk [tilespmem:v5+s4+$0x0 ss:$0x1], $0xffff;
	_ =	sdelay $0x4  }
0x94: {  	[tilespmem:s0+$0x6B90] =	vst.msk vm6, v13;
	v13, _, _ =	vpop (xrf0)  }
0x95: {  	v14 =	vld.idx.msk [tilespmem:v8+s4+$0x0 ss:$0x1], $0xffff;
	(v2sf) =	vpush v13, $0xF;
	_ =	sdelay $0x4  }
0x96: {  	[tilespmem:s0+$0x6D10] =	vst.msk vm6, v14  }
0x97: {  	v13 =	vld.idx.msk [tilespmem:v10+s4+$0x0 ss:$0x1], $0xffff;
	_ =	sdelay $0x4  }
0x98: {  	[tilespmem:s0+$0x6E90] =	vst.msk vm6, v13  }
0x99: {  	v13 =	vld.idx.msk [tilespmem:v11+s4+$0x0 ss:$0x1], $0xffff;
	_ =	sdelay $0x2  }
0x9a: {  	s6 =	spop (v2sf)  }
0x9b: {  	s6 =	sxor.u32 $0x80000000, s6  }
0x9c: {  	[tilespmem:s0+$0x7010] =	vst.msk vm6, v13;
	v14 =	vmov s6  }
0x9d: {  	v13 =	vld.idx.msk [tilespmem:v12+s4+$0x0 ss:$0x1], $0xffff;
	v14 =	vbroadcast v14, $0x0;
	_ =	sdelay $0x1  }
0x9e: {  	v14 =	vnsel vm0, $0x0, v14  }
0x9f: {  	v16 =	vmov s5;
	v14 =	vsel vm1, v14, v15  }
0xa0: {  	v14 =	vsel vm2, v14, v16  }
0xa1: {  	[tilespmem:s0+$0x7190] =	vst.msk vm6, v13;
	v13 =	vsel vm3, v14, v21  }
0xa2: {  	s29 =	rddreg [dreg:$0x9];
	[tilespmem:$0x6700] =	vst v13  }
0xa3: {  	[spmem:s29] =	stream.linear.scatter [tilespmem:s21], [sflag:$0x1], $0x8, $0x38;
	[tilespmem:$0x7310] =	vst v63  }
0xa4: {  	_ =	swait.ge [sflag:s15], $0x8  }
0xa5: {  	[sflag:s15] =	ssyncset.done $0x0  }
0xa6: {  	[sflag:s15] =	ssyncadd.s32 $0xFFFFFFF8  }
0xa7: {  	[bflag:$0x0] =	sbarrier.arrive $0xFFFF  }
0xa8: {  	[tilespmem:s22], [sflag:$0x1] =	stream.linear.gather [spmem:s1], $0x80, $0x38;
	[tilespmem:$0x7310] =	vst v63  }
0xa9: {  	_ =	swait.ge [sflag:s15], $0x80  }
0xaa: {  	[sflag:s15] =	ssyncset.done $0x0  }
0xab: {  	[sflag:s15] =	ssyncadd.s32 $0xFFFFFF80  }
0xac: {  	v14 =	vld.idx.msk [tilespmem:v3+s22+$0x0], $0xffff;
	_ =	sdelay $0x4  }
0xad: {  	(xrf0) =	vmax.scan.msk.f32 $0xffff, v14;
	_ =	sdelay $0x5  }
0xae: {  	v13, _, _ =	vpop (xrf0)  }
0xaf: {  	(v2sf) =	vpush v13, $0xF;
	_ =	sdelay $0xe  }
0xb0: {  	s30 =	spop (v2sf)  }
0xb1: {  	p1 =	slt.f32 s30, $-Inf;
	p2 =	sgt.f32 s30, $-Inf  }
0xb2: {  	_ = 	snop  }
0xb3: {  	p1 =	por p2, p1  }
0xb4: {  	p1 =	por !p1, !p1  }
.Ltmp3:
0xb5: {  	_ = 	snop;
	(pc) =	sbr.rel @!p1 .LBB2_4-.Ltmp3, $4  }
.Ltmp4:
0xb6: {  	v20 =	vld.idx.msk [tilespmem:v6+s22+$0x0], $0xffff;
	(pc) =	sbr.rel @p1 .LBB2_25-.Ltmp4, $4  }
0xb7: {  	_ = 	snop  }
0xb8: {  	s31 =	sadd.s32 s20, s0;
	v18 =	vld.idx.msk [tilespmem:v4+s22+$0x0], $0xffff  }
0xb9: {  	s28 =	sadd.s32 $0x80000000, s31;
	s26 =	simm.s32 $0x0;
	v22 =	vld.idx.msk [tilespmem:v7+s22+$0x0], $0xffff  }
0xba: {  	_ = 	snop  }
.LBB2_8:
0xbb: {  	v13 =	vimm.s32 $0x0  }
0xbc: {  	v16 =	vimm.f32 $-Inf;
	s28 =	simm.s32 $0x0;
	v15 =	vimm.f32 $-Inf;
	v17 =	vimm.s32 $0x0  }
.LBB2_24:
0xbd: {  	(xrf0) =	vmax.scan.msk.f32 $0xffff, v16;
	_ =	sdelay $0x5  }
0xbe: {  	v14, _, _ =	vpop (xrf0)  }
0xbf: {  	v14 =	vbroadcast v14, $0xF;
	_ =	sdelay $0x1  }
0xc0: {  	v18 =	vxor.u32 $0x80000000, v13;
	vm6 =	veq.f32 v16, v14  }
0xc1: {  	v18 =	vnsel vm6, $0xC0000000, v18  }
0xc2: {  	(xrf0) =	vmin.scan.msk.u32 $0xffff, v18;
	_ =	sdelay $0x5  }
0xc3: {  	v18, _, _ =	vpop (xrf0)  }
0xc4: {  	(v2sf) =	vpush v18, $0xF;
	_ =	sdelay $0xe  }
0xc5: {  	s0 =	spop (v2sf)  }
0xc6: {  	s0 =	sxor.u32 $0x80000000, s0  }
0xc7: {  	vm7 =	veq.s32 v13, s0  }
0xc8: {  	vm6 =	vmand vm6, vm7  }
0xc9: {  	v15 =	vsel vm6, v15, v16  }
0xca: {  	(xrf0) =	vmax.scan.msk.f32 $0xffff, v15;
	_ =	sdelay $0x5  }
0xcb: {  	v16, _, _ =	vpop (xrf0)  }
0xcc: {  	v16 =	vbroadcast v16, $0xF  }
0xcd: {  	v13 =	vsel vm6, v17, v13  }
0xce: {  	v13 =	vxor.u32 $0x80000000, v13;
	vm6 =	veq.f32 v15, v16  }
0xcf: {  	v13 =	vnsel vm6, $0xC0000000, v13  }
0xd0: {  	(xrf0) =	vmin.scan.msk.u32 $0xffff, v13;
	_ =	sdelay $0x5  }
0xd1: {  	v13, _, _ =	vpop (xrf0)  }
0xd2: {  	(v2sf) =	vpush v13, $0xF;
	_ =	sdelay $0xe  }
0xd3: {  	s3 =	spop (v2sf)  }
0xd4: {  	s3 =	sxor.u32 $0x80000000, s3  }
0xd5: {  	v13 =	vmov s3  }
0xd6: {  	v13 =	vbroadcast v13, $0x0;
	_ =	sdelay $0x1  }
0xd7: {  	s26 =	sxor.u32 $0x1, s26;
	v13 =	vnsel vm0, $0x0, v13  }
0xd8: {  	s29 =	sshll.u32 s26, $0x7;
	v15 =	vmov s0;
	v13 =	vsel vm1, v13, v16  }
0xd9: {  	s0 =	sand.u32 $0x3FFFFF80, s29;
	v13 =	vsel vm2, v13, v15  }
0xda: {  	s0 =	sadd.s32 s0, s1;
	v13 =	vsel vm3, v13, v14  }
0xdb: {  	s30 =	sadd.s32 s10, s0;
	[tilespmem:$0x6700] =	vst v13  }
0xdc: {  	[spmem:s30] =	stream.linear.scatter [tilespmem:s21], [sflag:$0x1], $0x8, $0x38;
	[tilespmem:$0x7310] =	vst v63  }
0xdd: {  	_ =	swait.ge [sflag:s15], $0x8  }
0xde: {  	[sflag:s15] =	ssyncset.done $0x0  }
0xdf: {  	[sflag:s15] =	ssyncadd.s32 $0xFFFFFFF8  }
0xe0: {  	[bflag:$0x0] =	sbarrier.arrive $0xFFFF  }
0xe1: {  	[tilespmem:s22], [sflag:$0x1] =	stream.linear.gather [spmem:s0], $0x80, $0x38;
	[tilespmem:$0x7310] =	vst v63  }
0xe2: {  	_ =	swait.ge [sflag:s15], $0x80  }
0xe3: {  	[sflag:s15] =	ssyncset.done $0x0  }
0xe4: {  	[sflag:s15] =	ssyncadd.s32 $0xFFFFFF80  }
0xe5: {  	v14 =	vld.idx.msk [tilespmem:v3+s22+$0x0], $0xffff;
	_ =	sdelay $0x4  }
0xe6: {  	(xrf0) =	vmax.scan.msk.f32 $0xffff, v14;
	_ =	sdelay $0x5  }
0xe7: {  	v13, _, _ =	vpop (xrf0)  }
0xe8: {  	(v2sf) =	vpush v13, $0xF;
	_ =	sdelay $0xe  }
0xe9: {  	s31 =	spop (v2sf)  }
0xea: {  	p1 =	sgt.f32 s31, $-Inf  }
.Ltmp5:
0xeb: {  	v20 =	vld.idx.msk [tilespmem:v6+s22+$0x0], $0xffff;
	(pc) =	sbr.rel @!p1 .LBB2_25-.Ltmp5, $3  }
0xec: {  	_ =	sdelay $0x1  }
0xed: {  	v18 =	vld.idx.msk [tilespmem:v4+s22+$0x0], $0xffff  }
0xee: {  	v22 =	vld.idx.msk [tilespmem:v7+s22+$0x0], $0xffff  }
.LBB2_4:
0xef: {  	v13 =	vimm.s32 $0x0;
	v15 =	vimm.f32 $0.0e+00;
	v16 =	vimm.f32 $0.0e+00  }
0xf0: {  	v17 =	vimm.f32 $0.0e+00;
	v19 =	vimm.f32 $0.0e+00;
	v21 =	vimm.f32 $0.0e+00  }
0xf1: {  	vm6 =	vmmov vm5;
	vm7 =	vmmov vm4;
	vm8 =	vmmov vm4;
	s0 =	simm.s32 $0x0  }
.LBB2_5:
0xf2: {  	v23 =	vnsel vm7, $0xFF800000, v20  }
0xf3: {  	v24 =	vmax.f32 v14, v23  }
0xf4: {  	v23 =	vsel vm8, v24, v23  }
0xf5: {  	(xrf0) =	vmax.scan.msk.f32 $0xffff, v23;
	_ =	sdelay $0x5  }
0xf6: {  	v23, _, _ =	vpop (xrf0)  }
0xf7: {  	v55 =	vbroadcast v23, $0xF;
	_ =	sdelay $0x1  }
0xf8: {  	vm9 =	veq.f32 v14, v55;
	vm10 =	veq.f32 v20, v55  }
0xf9: {  	vm9 =	vmand vm8, vm9;
	vm10 =	vmand vm7, vm10  }
0xfa: {  	v56 =	vnsel vm9, $0x40000000, v18;
	v25 =	vnsel vm10, $0x40000000, v22  }
0xfb: {  	vm9 =	vlt.s32 v56, v25  }
0xfc: {  	v24 =	vsel vm9, v56, v25  }
0xfd: {  	v24 =	vxor.u32 $0x80000000, v24  }
0xfe: {  	(xrf0) =	vmin.scan.msk.u32 $0xffff, v24;
	_ =	sdelay $0x5  }
0xff: {  	(v2sf) =	vpush v23, $0xF;
	v23, _, _ =	vpop (xrf0)  }
0x100: {  	(v2sf) =	vpush v23, $0xF;
	_ =	sdelay $0xd  }
0x101: {  	s3 =	spop (v2sf)  }
0x102: {  	s4 =	spop (v2sf)  }
0x103: {  	s4 =	sxor.u32 $0x80000000, s4  }
0x104: {  	v23 =	vmov s4;
	_ =	sdelay $0x4  }
0x105: {  	v57 =	vld.idx.msk [tilespmem:v23+s2+$0x0], $0xffff  }
0x106: {  	v58 =	vld.idx.msk [tilespmem:v23+s16+$0x0], $0xffff  }
0x107: {  	v26 =	vld.idx.msk [tilespmem:v23+s17+$0x0], $0xffff  }
0x108: {  	v27 =	vld.idx.msk [tilespmem:v23+s18+$0x0], $0xffff;
	_ =	sdelay $0x3  }
0x109: {  	v28 =	vsel vm7, $0xFF800000, v20;
	v29 =	vld.idx.msk [tilespmem:v23+s19+$0x0], $0xffff;
	v30 =	vmax.f32 v21, v57  }
0x10a: {  	v59 =	vmax.f32 v19, v58;
	v31 =	vmin.f32 v17, v26;
	v32 =	vmin.f32 v16, v27  }
0x10b: {  	(xrf0) =	vmax.scan.msk.f32 $0xffff, v28;
	v30 =	vsub.f32 v31, v30;
	v28 =	vsub.f32 v32, v59;
	_ =	sdelay $0x1  }
0x10c: {  	v30 =	vmax.f32 v30, $0.0e+00;
	v28 =	vmax.f32 v28, $0.0e+00  }
0x10d: {  	v60 =	vadd.f32 v29, v15;
	v28 =	vmul.f32 v28, v30;
	_ =	sdelay $0x1  }
0x10e: {  	v30 =	vsub.f32 v60, v28  }
0x10f: {  	v61, _, _ =	vpop (xrf0)  }
0x110: {  	(v2sf) =	vpush v61, $0xF;
	v30 =	vadd.f32 $9.999999960e-13, v30;
	_ =	sdelay $0x1  }
0x111: {  	(erf) = vrcp.f32 v30;
	_ =	sdelay $0x8  }
0x112: {  	v30 =	vpop (erf)  }
0x113: {  	v28 =	vmul.f32 v30, v28;
	_ =	sdelay $0x1  }
0x114: {  	vm9 =	vgt.f32 v28, $5.000000000e-01  }
0x115: {  	vm10 =	vmneg vm6;
	s5 =	spop (v2sf);
	vm9 =	vmand vm6, vm9  }
0x116: {  	v63 =	vmctz.xlane vm10;
	p1 =	sgt.f32 s3, $-Inf;
	p2 =	sgt.f32 s3, s5;
	v62 =	vmpcnt.ones.xlane vm9  }
0x117: {  	vm12 =	vmmov vm5;
	vm13 =	vmmov vm4  }
0x118: {  	vm11 =	veq.s32 v63, v0;
	vm10 =	vne.s32 v23, v18;
	p1 =	por !p1, !p2;
	vm9 =	vlt.s32 v62, $0x1  }
0x119: {  	p6 =	sgt.u32 s0, $0xE;
	vm14 =	vne.s32 v23, v22;
	p1 =	por !p1, !p1;
	vm9 =	vmand vm9, vm11;
	vm11 =	vmmov vm4  }
0x11a: {  	vm12 =	vmneg @p1 vm12;
	vm13 =	vmmov @p1 vm10;
	vm11 =	vmmov @p1 vm14;
	p1 =	por p6, !p1  }
.Ltmp6:
0x11b: {  	_ = 	snop;
	(pc) =	sbr.rel @!p1 .LBB2_5-.Ltmp6, $4  }
0x11c: {  	vm9 =	vmand vm12, vm9  }
0x11d: {  	vm8 =	vmand vm8, vm13;
	vm7 =	vmand vm7, vm11;
	vm6 =	vmor vm6, vm9  }
0x11e: {  	v13 =	vsel vm9, s4, v13;
	v21 =	vsel vm9, v57, v21;
	v19 =	vsel vm9, v58, v19  }
0x11f: {  	s0 =	sadd.s32 $0x1, s0;
	v17 =	vsel vm9, v26, v17;
	v16 =	vsel vm9, v27, v16;
	v15 =	vsel vm9, v29, v15  }
0x120: {  	v14 =	vmpcnt.ones.xlane vm6;
	_ =	sdelay $0x1  }
0x121: {  	v14 =	vxor.u32 $0x80000000, v14  }
0x122: {  	(xrf0) =	vmax.scan.msk.u32 $0xffff, v14;
	_ =	sdelay $0x5  }
0x123: {  	v14, _, _ =	vpop (xrf0)  }
0x124: {  	(v2sf) =	vpush v14, $0xF;
	_ =	sdelay $0x7  }
0x125: {  	v14 =	vsub.s32 v13, v1  }
0x126: {  	vm7 =	vlt.u32 v14, $0x140;
	vm8 =	vgt.s32 v14, $0x0  }
0x127: {  	vm6 =	vmand vm6, vm7;
	v14 =	vnsel vm8, $0x0, v14  }
0x128: {  	v14 =	vmin.u32 v14, $0x13F  }
0x129: {  	s0 =	sadd.s32 $0xF, s28  }
0x12a: {  	s4 =	sand.u32 $0xF, s0  }
0x12b: {  	p2 =	slt.s32 s0, $0x1;
	p1 =	sne.s32 s4, $0x0  }
0x12c: {  	p1 =	por !p2, !p1;
	s3 =	spop (v2sf)  }
0x12d: {  	p1 =	por !p1, !p1;
	[tilespmem:v14+s23+$0x0] =	vst.idx.msk vm6, v9;
	s30 =	sxor.u32 $0x80000000, s3;
	s3 =	simm.s32 $0x1  }
0x12e: {  	[tilespmem:$0x6800] =	vst v21;
	s3 =	simm.s32 @!p1 $0x0;
	p1 =	sgt.s32 s30, $0x0  }
.Ltmp7:
0x12f: {  	s14 =	sshra.s32 s0, $0x1F;
	[tilespmem:$0x6810] =	vst v19;
	(pc) =	sbr.rel @p1 .LBB2_9-.Ltmp7, $4  }
0x130: {  	s20 =	sshrl.u32 s14, $0x1C;
	[tilespmem:$0x6820] =	vst v17  }
0x131: {  	s0 =	sadd.s32 s20, s0;
	[tilespmem:$0x6830] =	vst v16  }
0x132: {  	s0 =	sshra.s32 s0, $0x4;
	[tilespmem:$0x6840] =	vst v15  }
0x133: {  	s31 =	simm.s32 $0x0;
	[tilespmem:$0x6850] =	vst v13;
	s29 =	ssub.s32 s0, s3  }
.LBB2_7:
0x134: {  	p1 =	slt.s32 s29, $0x1  }
.Ltmp8:
0x135: {  	_ = 	snop;
	(pc) =	sbr.rel @p1 .LBB2_8-.Ltmp8, $1  }
0x136: {  	_ =	sdelay $0x3  }
0x137: {  	p2 =	sne.s32 s29, $0x1  }
.Ltmp9:
0x138: {  	_ = 	snop;
	(pc) =	sbr.rel @!p2 .LBB2_18-.Ltmp9, $4  }
0x139: {  	s4 =	simm.s32 $0x6A10  }
0x13a: {  	s3 =	simm.s32 $0x6890;
	s0 =	simm.s32 $0x6B90;
	s5 =	simm.s32 $0x7190  }
0x13b: {  	s31 =	simm.s32 $0x6D10;
	s30 =	simm.s32 $0x6E90;
	s20 =	simm.s32 $0x7010;
	v14 =	vld [tilespmem:s5+$0x0]  }
0x13c: {  	v15 =	vmov s28;
	v19 =	vimm.f32 $-Inf;
	v13 =	vimm.s32 $0x0;
	s28 =	simm.s32 $0x0;
	p1 =	por $0x0, $0x0;
	v17 =	vld [tilespmem:s4+$0x0];
	s4 =	sadd.s32 $0xFFFFFFFF, s29  }
0x13d: {  	_ =	sdelay $0x3  }
0x13e: {  	v18 =	vor.u32 s28, v0;
	vm6 =	vlt.f32 v17, $-Inf;
	vm7 =	vgt.f32 v17, $-Inf  }
0x13f: {  	vm8 =	vlt.s32 v18, v15;
	vm6 =	vmor vm7, vm6  }
0x140: {  	v16 =	vld [tilespmem:s3+$0x0];
	vm6 =	vmand vm8, vm6  }
0x141: {  	v22 =	vmpcnt.ones.xlane vm6  }
0x142: {  	v18 =	vld [tilespmem:s0+$0x0]  }
0x143: {  	v21 =	vld [tilespmem:s31+$0x0];
	v22 =	vxor.u32 $0x80000000, v22  }
0x144: {  	v23 =	vld [tilespmem:s30+$0x0];
	(xrf0) =	vmax.scan.msk.u32 $0xffff, v22  }
0x145: {  	v20 =	vld [tilespmem:s20+$0x0];
	[tilespmem:s28+$0x6890] =	vst.msk vm6, v16  }
0x146: {  	[tilespmem:s28+$0x6A10] =	vst.msk vm6, v17  }
0x147: {  	v17 =	vnsel vm6, $0xFF800000, v17;
	[tilespmem:s28+$0x6B90] =	vst.msk vm6, v18  }
0x148: {  	[tilespmem:s28+$0x6D10] =	vst.msk vm6, v21  }
0x149: {  	vm7 =	vgt.f32 v17, v19;
	[tilespmem:s28+$0x6E90] =	vst.msk vm6, v23  }
0x14a: {  	p2 =	sne.s32 s4, $0x1;
	[tilespmem:s28+$0x7010] =	vst.msk vm6, v20;
	v20 =	vsel vm7, v17, v19;
	v17, _, _ =	vpop (xrf0)  }
.Ltmp10:
0x14b: {  	(v2sf) =	vpush v17, $0xF;
	(pc) =	sbr.rel @!p2 .LBB2_20-.Ltmp10, $4  }
0x14c: {  	s9 =	simm.s32 $0x71A0;
	s11 =	simm.s32 $0x6A20  }
0x14d: {  	s12 =	sadd.s32 $0xFFFFFFFF, s4;
	s20 =	simm.s32 $0x7020;
	p1 =	por $0x1, $0x1;
	[tilespmem:s28+$0x7190] =	vst.msk vm6, v14  }
0x14e: {  	s29 =	simm.s32 $0x6E90;
	s4 =	simm.s32 $0x6D10;
	s5 =	simm.s32 $0x6B90;
	v16 =	vsel vm7, v16, v13;
	v14 =	vld [tilespmem:s9+$0x0]  }
0x14f: {  	s6 =	simm.s32 $0x6890;
	s13 =	simm.s32 $0x0;
	s8 =	simm.s32 $0x0;
	v13 =	vsel vm7, v13, v16;
	v18 =	vsel vm7, v19, v20;
	v17 =	vld [tilespmem:s11+$0x0]  }
.LBB2_21:
0x150: {  	p2 =	sne.s32 s12, $0x1;
	v19 =	vld [tilespmem:s20+$0x0];
	s29 =	sadd.s32 $0x10, s29  }
0x151: {  	s4 =	sadd.s32 $0x10, s4;
	v21 =	vld [tilespmem:s29+$0x0]  }
0x152: {  	s5 =	sadd.s32 $0x10, s5;
	v22 =	vld [tilespmem:s4+$0x0]  }
0x153: {  	s6 =	sadd.s32 $0x10, s6;
	s13 =	sadd.s32 $0x10, s13;
	v23 =	vld [tilespmem:s5+$0x0]  }
0x154: {  	v25 =	vor.u32 s13, v0;
	v24 =	vld [tilespmem:s6+$0x0];
	vm6 =	vlt.f32 v17, $-Inf;
	vm7 =	vgt.f32 v17, $-Inf  }
0x155: {  	vm8 =	vlt.s32 v25, v15;
	vm6 =	vmor vm7, vm6  }
0x156: {  	vm6 =	vmand vm8, vm6  }
0x157: {  	v25 =	vmpcnt.ones.xlane vm6;
	v26 =	vnsel vm6, $0xFF800000, v17  }
0x158: {  	vm7 =	vgt.f32 v26, v20;
	vm8 =	vgt.f32 v26, v18  }
0x159: {  	v25 =	vxor.u32 $0x80000000, v25;
	v18 =	vsel vm8, v26, v18;
	v13 =	vsel vm8, v24, v13  }
0x15a: {  	v18 =	vsel vm7, v20, v18;
	v13 =	vsel vm7, v16, v13;
	v16 =	vsel vm7, v24, v16;
	(xrf0) =	vmax.scan.msk.u32 $0xffff, v25;
	s14 =	spop (v2sf)  }
0x15b: {  	v20 =	vsel vm7, v26, v20;
	s8 =	sadd.s32 s14, s8  }
0x15c: {  	s8 =	sadd.s32 $0x80000000, s8  }
0x15d: {  	[tilespmem:s8+$0x6890] =	vst.msk vm6, v24  }
0x15e: {  	[tilespmem:s8+$0x6A10] =	vst.msk vm6, v17  }
0x15f: {  	[tilespmem:s8+$0x6B90] =	vst.msk vm6, v23  }
0x160: {  	[tilespmem:s8+$0x6D10] =	vst.msk vm6, v22;
	v17, _, _ =	vpop (xrf0)  }
.Ltmp11:
0x161: {  	[tilespmem:s8+$0x6E90] =	vst.msk vm6, v21;
	(v2sf) =	vpush v17, $0xF;
	(pc) =	sbr.rel @p2 .LBB2_21-.Ltmp11, $4  }
0x162: {  	[tilespmem:s8+$0x7010] =	vst.msk vm6, v19  }
0x163: {  	s9 =	sadd.s32 $0x10, s9;
	[tilespmem:s8+$0x7190] =	vst.msk vm6, v14  }
0x164: {  	s11 =	sadd.s32 $0x10, s11;
	v14 =	vld [tilespmem:s9+$0x0]  }
0x165: {  	s12 =	sadd.s32 $0xFFFFFFFF, s12;
	s20 =	sadd.s32 $0x10, s20;
	v17 =	vld [tilespmem:s11+$0x0]  }
0x166: {  	v19 =	vmov v20  }
.LBB2_23:
0x167: {  	_ = 	snop  }
0x168: {  	s9 =	sadd.s32 @p1 $0x10, s13;
	s11 =	simm.s32 $0x0  }
0x169: {  	s11 =	smov.u32 @p1 s9  }
0x16a: {  	v20 =	vor.u32 s11, v0;
	vm6 =	vlt.f32 v17, $-Inf;
	vm7 =	vgt.f32 v17, $-Inf  }
0x16b: {  	vm8 =	vlt.s32 v20, v15;
	vm6 =	vmor vm7, vm6  }
0x16c: {  	vm6 =	vmand vm8, vm6  }
0x16d: {  	v15 =	vmpcnt.ones.xlane vm6;
	_ =	sdelay $0x1  }
0x16e: {  	v15 =	vxor.u32 $0x80000000, v15  }
0x16f: {  	(xrf0) =	vmax.scan.msk.u32 $0xffff, v15;
	_ =	sdelay $0x5  }
0x170: {  	v15, _, _ =	vpop (xrf0)  }
0x171: {  	(v2sf) =	vpush v15, $0xF;
	_ =	sdelay $0x3  }
0x172: {  	s6 =	sadd.s32 @p1 $0x10, s6  }
0x173: {  	s3 =	smov.u32 @p1 s6  }
0x174: {  	s5 =	sadd.s32 @p1 $0x10, s5;
	v63 =	vld [tilespmem:s3+$0x0]  }
0x175: {  	s4 =	sadd.s32 @p1 $0x10, s4;
	s0 =	smov.u32 @p1 s5;
	s3 =	spop @p1 (v2sf)  }
0x176: {  	s5 =	sadd.s32 @p1 $0x10, s29;
	s31 =	smov.u32 @p1 s4;
	v15 =	vld [tilespmem:s0+$0x0];
	s0 =	sadd.s32 @p1 s3, s8  }
0x177: {  	s30 =	smov.u32 @p1 s5;
	v22 =	vld [tilespmem:s31+$0x0];
	s0 =	sadd.s32 @p1 $0x80000000, s0  }
0x178: {  	v23 =	vld [tilespmem:s30+$0x0];
	s28 =	smov.u32 @p1 s0  }
0x179: {  	v21 =	vld [tilespmem:s20+$0x0];
	[tilespmem:s28+$0x6890] =	vst.msk vm6, v63  }
0x17a: {  	[tilespmem:s28+$0x6A10] =	vst.msk vm6, v17  }
.Ltmp12:
0x17b: {  	v24 =	vnsel vm6, $0xFF800000, v17;
	[tilespmem:s28+$0x6B90] =	vst.msk vm6, v15;
	(pc) =	sbr.rel .LBB2_24-.Ltmp12, $4  }
0x17c: {  	vm7 =	vgt.f32 v24, v18;
	[tilespmem:s28+$0x6D10] =	vst.msk vm6, v22  }
0x17d: {  	vm15 =	vgt.f32 v24, v19;
	v13 =	vsel vm7, v63, v13;
	[tilespmem:s28+$0x6E90] =	vst.msk vm6, v23;
	s31 =	spop (v2sf)  }
0x17e: {  	v17 =	vsel vm15, v16, v13;
	v15 =	vsel vm7, v24, v18;
	[tilespmem:s28+$0x7010] =	vst.msk vm6, v21;
	s0 =	sadd.s32 s31, s28  }
0x17f: {  	v13 =	vsel vm15, v63, v16;
	v16 =	vsel vm15, v24, v19;
	v15 =	vsel vm15, v19, v15;
	[tilespmem:s28+$0x7190] =	vst.msk vm6, v14;
	s28 =	sadd.s32 $0x80000000, s0  }
.LBB2_11:
0x180: {  	s8 =	simm.s32 $0x7190;
	s4 =	simm.s32 $0x6890;
	s5 =	simm.s32 $0x6A10  }
.LBB2_15:
0x181: {  	s6 =	sadd.s32 @p1 $0x10, s8  }
0x182: {  	s20 =	smov.u32 @p1 s6  }
0x183: {  	v15 =	vmax.f32 v15, v19;
	v23 =	vld [tilespmem:s20+$0x0]  }
0x184: {  	v16 =	vmax.f32 v16, v21;
	v17 =	vmin.f32 v17, v20;
	v18 =	vmin.f32 v18, v22  }
0x185: {  	v15 =	vsub.f32 v17, v15;
	v16 =	vsub.f32 v18, v16;
	_ =	sdelay $0x1  }
0x186: {  	v15 =	vmax.f32 v15, $0.0e+00;
	v16 =	vmax.f32 v16, $0.0e+00  }
0x187: {  	v15 =	vmul.f32 v16, v15;
	v14 =	vadd.f32 v23, v14;
	_ =	sdelay $0x1  }
0x188: {  	v14 =	vsub.f32 v14, v15;
	_ =	sdelay $0x1  }
0x189: {  	v14 =	vadd.f32 $9.999999960e-13, v14;
	_ =	sdelay $0x1  }
0x18a: {  	(erf) = vrcp.f32 v14;
	_ =	sdelay $0x4  }
0x18b: {  	s4 =	sadd.s32 @p1 $0x10, s4  }
0x18c: {  	s3 =	smov.u32 @p1 s4  }
0x18d: {  	v14 =	vld [tilespmem:s3+$0x0];
	s3 =	sadd.s32 @p1 $0x10, s5  }
0x18e: {  	s0 =	smov.u32 @p1 s3  }
0x18f: {  	v62 =	vld [tilespmem:s0+$0x0];
	v63 =	vpop (erf)  }
0x190: {  	v15 =	vmul.f32 v63, v15;
	_ =	sdelay $0x1  }
0x191: {  	vm7 =	veq.s32 v14, v13;
	vm6 =	vgt.f32 v15, $5.000000000e-01  }
0x192: {  	vm6 =	vmor vm7, vm6  }
0x193: {  	v13 =	vsel vm6, $0xFF800000, v62  }
0x194: {  	[tilespmem:s0+$0x0] =	vst v13  }
.LBB2_16:
0x195: {  	s31 =	sadd.s32 $0x1, s31  }
0x196: {  	p1 =	seq.s32 s31, s30  }
.Ltmp13:
0x197: {  	_ = 	snop;
	(pc) =	sbr.rel @p1 .LBB2_7-.Ltmp13, $1  }
0x198: {  	_ =	sdelay $0x3  }
.LBB2_9:
0x199: {  	p1 =	slt.s32 s29, $0x1  }
.Ltmp14:
0x19a: {  	_ = 	snop;
	(pc) =	sbr.rel @p1 .LBB2_16-.Ltmp14, $1  }
0x19b: {  	_ =	sdelay $0x3  }
0x19c: {  	v13 =	vmov s31  }
0x19d: {  	s3 =	simm.s32 $0x6E90;
	v14 =	vadd.s32 $0x10, v13  }
0x19e: {  	s4 =	simm.s32 $0x6D10;
	v17 =	vadd.s32 $0x20, v13;
	v20 =	vld [tilespmem:s3+$0x0]  }
0x19f: {  	s5 =	simm.s32 $0x7010;
	v19 =	vadd.s32 $0x40, v13;
	v21 =	vld [tilespmem:s4+$0x0]  }
0x1a0: {  	v22 =	vld [tilespmem:s5+$0x0]  }
0x1a1: {  	v18 =	vadd.s32 $0x30, v13;
	v15 =	vld.idx.msk [tilespmem:v13+s24+$0x0], $0xffff  }
0x1a2: {  	p2 =	sne.s32 s29, $0x1;
	v13 =	vadd.s32 $0x50, v13;
	v16 =	vld.idx.msk [tilespmem:v14+s24+$0x0], $0xffff  }
.Ltmp15:
0x1a3: {  	v17 =	vld.idx.msk [tilespmem:v17+s24+$0x0], $0xffff;
	(pc) =	sbr.rel @!p2 .LBB2_11-.Ltmp15, $4  }
0x1a4: {  	s0 =	simm.s32 $0x6B90;
	v14 =	vld.idx.msk [tilespmem:v19+s24+$0x0], $0xffff  }
0x1a5: {  	v19 =	vld [tilespmem:s0+$0x0]  }
0x1a6: {  	s20 =	simm.s32 $0x7190;
	p1 =	por $0x0, $0x0;
	v18 =	vld.idx.msk [tilespmem:v18+s24+$0x0], $0xffff  }
0x1a7: {  	s3 =	simm.s32 $0x6890;
	s4 =	sadd.s32 $0xFFFFFFFF, s29;
	s0 =	simm.s32 $0x6A10;
	v13 =	vld.idx.msk [tilespmem:v13+s24+$0x0], $0xffff  }
0x1a8: {  	_ =	sdelay $0x1  }
0x1a9: {  	v23 =	vld [tilespmem:s20+$0x0];
	v21 =	vmax.f32 v16, v21  }
0x1aa: {  	v20 =	vmin.f32 v17, v20;
	v19 =	vmax.f32 v15, v19;
	v22 =	vmin.f32 v18, v22  }
0x1ab: {  	v19 =	vsub.f32 v20, v19;
	v20 =	vsub.f32 v22, v21;
	_ =	sdelay $0x1  }
0x1ac: {  	v19 =	vmax.f32 v19, $0.0e+00;
	v20 =	vmax.f32 v20, $0.0e+00  }
0x1ad: {  	v19 =	vmul.f32 v20, v19;
	v20 =	vadd.f32 v23, v14;
	_ =	sdelay $0x1  }
0x1ae: {  	v20 =	vsub.f32 v20, v19;
	_ =	sdelay $0x1  }
0x1af: {  	v20 =	vadd.f32 $9.999999960e-13, v20;
	_ =	sdelay $0x1  }
0x1b0: {  	(erf) = vrcp.f32 v20;
	_ =	sdelay $0x6  }
0x1b1: {  	v20 =	vld [tilespmem:s3+$0x0];
	_ =	sdelay $0x1  }
0x1b2: {  	v21 =	vld [tilespmem:s0+$0x0];
	v22 =	vpop (erf)  }
0x1b3: {  	v19 =	vmul.f32 v22, v19;
	_ =	sdelay $0x1  }
0x1b4: {  	vm7 =	veq.s32 v20, v13;
	vm6 =	vgt.f32 v19, $5.000000000e-01  }
0x1b5: {  	vm6 =	vmor vm7, vm6  }
0x1b6: {  	v19 =	vsel vm6, $0xFF800000, v21  }
0x1b7: {  	s6 =	simm.s32 $0x6BA0;
	p2 =	sne.s32 s4, $0x1;
	[tilespmem:s0+$0x0] =	vst v19  }
.Ltmp16:
0x1b8: {  	s9 =	simm.s32 $0x6EA0;
	v19 =	vld [tilespmem:s6+$0x0];
	(pc) =	sbr.rel @!p2 .LBB2_13-.Ltmp16, $4  }
0x1b9: {  	s11 =	simm.s32 $0x6D20;
	v20 =	vld [tilespmem:s9+$0x0]  }
0x1ba: {  	s12 =	simm.s32 $0x7020;
	v21 =	vld [tilespmem:s11+$0x0]  }
0x1bb: {  	s13 =	sadd.s32 $0xFFFFFFFF, s4;
	p1 =	por $0x1, $0x1;
	v22 =	vld [tilespmem:s12+$0x0]  }
0x1bc: {  	s8 =	simm.s32 $0x7190;
	s4 =	simm.s32 $0x6890;
	s5 =	simm.s32 $0x6A10  }
.LBB2_14:
0x1bd: {  	p2 =	sne.s32 s13, $0x1;
	_ =	sdelay $0x1  }
0x1be: {  	s8 =	sadd.s32 $0x10, s8  }
0x1bf: {  	v19 =	vmax.f32 v15, v19;
	v23 =	vld [tilespmem:s8+$0x0]  }
0x1c0: {  	v21 =	vmax.f32 v16, v21;
	v20 =	vmin.f32 v17, v20;
	v22 =	vmin.f32 v18, v22  }
0x1c1: {  	v19 =	vsub.f32 v20, v19;
	v20 =	vsub.f32 v22, v21;
	_ =	sdelay $0x1  }
0x1c2: {  	v19 =	vmax.f32 v19, $0.0e+00;
	v20 =	vmax.f32 v20, $0.0e+00  }
0x1c3: {  	v19 =	vmul.f32 v20, v19;
	v20 =	vadd.f32 v23, v14;
	_ =	sdelay $0x1  }
0x1c4: {  	v20 =	vsub.f32 v20, v19;
	_ =	sdelay $0x1  }
0x1c5: {  	v20 =	vadd.f32 $9.999999960e-13, v20;
	_ =	sdelay $0x1  }
0x1c6: {  	(erf) = vrcp.f32 v20;
	_ =	sdelay $0x5  }
0x1c7: {  	s4 =	sadd.s32 $0x10, s4  }
0x1c8: {  	v20 =	vld [tilespmem:s4+$0x0]  }
0x1c9: {  	s5 =	sadd.s32 $0x10, s5  }
0x1ca: {  	v21 =	vld [tilespmem:s5+$0x0];
	v22 =	vpop (erf)  }
0x1cb: {  	v19 =	vmul.f32 v22, v19;
	_ =	sdelay $0x1  }
0x1cc: {  	vm6 =	vgt.f32 v19, $5.000000000e-01;
	vm7 =	veq.s32 v20, v13  }
0x1cd: {  	vm6 =	vmor vm7, vm6  }
0x1ce: {  	v19 =	vsel vm6, $0xFF800000, v21  }
.Ltmp17:
0x1cf: {  	s6 =	sadd.s32 $0x10, s6;
	[tilespmem:s5+$0x0] =	vst v19;
	(pc) =	sbr.rel @p2 .LBB2_14-.Ltmp17, $4  }
0x1d0: {  	s9 =	sadd.s32 $0x10, s9;
	v19 =	vld [tilespmem:s6+$0x0]  }
0x1d1: {  	s11 =	sadd.s32 $0x10, s11;
	v20 =	vld [tilespmem:s9+$0x0]  }
0x1d2: {  	s12 =	sadd.s32 $0x10, s12;
	v21 =	vld [tilespmem:s11+$0x0]  }
0x1d3: {  	s13 =	sadd.s32 $0xFFFFFFFF, s13;
	v22 =	vld [tilespmem:s12+$0x0]  }
.Ltmp18:
0x1d4: {  	_ = 	snop;
	(pc) =	sbr.rel .LBB2_15-.Ltmp18, $1  }
0x1d5: {  	_ =	sdelay $0x3  }
.LBB2_13:
.Ltmp19:
0x1d6: {  	(pc) =	sbr.rel .LBB2_15-.Ltmp19, $2  }
0x1d7: {  	_ =	sdelay $0x2  }
0x1d8: {  	s8 =	simm.s32 $0x7190;
	s4 =	simm.s32 $0x6890;
	s5 =	simm.s32 $0x6A10  }
.LBB2_18:
.Ltmp20:
0x1d9: {  	(pc) =	sbr.rel .LBB2_23-.Ltmp20, $3  }
0x1da: {  	_ =	sdelay $0x1  }
0x1db: {  	s29 =	simm.s32 $0x6E90;
	s4 =	simm.s32 $0x6D10;
	s5 =	simm.s32 $0x6B90  }
0x1dc: {  	s6 =	simm.s32 $0x6890;
	s13 =	simm.s32 $0x0;
	v18 =	vimm.f32 $-Inf;
	v16 =	vimm.s32 $0x0;
	s8 =	simm.s32 $0x0  }
.LBB2_20:
.Ltmp21:
0x1dd: {  	(pc) =	sbr.rel .LBB2_23-.Ltmp21, $3  }
0x1de: {  	_ =	sdelay $0x1  }
0x1df: {  	s29 =	simm.s32 $0x6E90;
	s4 =	simm.s32 $0x6D10;
	s5 =	simm.s32 $0x6B90  }
0x1e0: {  	s6 =	simm.s32 $0x6890;
	s13 =	simm.s32 $0x0;
	v19 =	vmov v20;
	s8 =	simm.s32 $0x0  }
.LBB2_26:
0x1e1: {  	_ =	sfence.sel $0x180000  }
0x1e2: {  	[bflag:$0x0] =	sbarrier.arrive $0xFFFF  }
0x1e3: {  	_ =	strace $0x90000047  }
0x1e4: {  	s0 =	stileid.u32;
	[bflag:$0x2] =	sbarrier.arrive $0xFFFF  }
0x1e5: {  	p0 =	sne.s32 s0, $0x0;
	s0 =	rddreg [dreg:$0x2]  }
0x1e6: {  	s0 =	sadd.s32 @!p0 $0x100000, s0  }
0x1e7: {  	[sflag:s0] =	ssyncadd.tile.s32 @!p0 $0x1;
	_ =	shalt  }
.Lfunc_end2:
_tile_overlayer_lowered:
.L_overlay_start_2:
0x1e8: {  	(tag) =	ssettag $0x2  }
0x1e9: {  	s0 =	rddreg [dreg:$0x0];
	s2 =	stileid.u32  }
0x1ea: {  	s1 =	rddreg [dreg:$0x1];
	p0 =	sne.s32 s2, $0x0  }
0x1eb: {  	s3 =	rddreg [dreg:$0x2];
	[bflag:$0x3] =	sbarrier.arrive $0xFFFF;
	s2 =	simm.s32 @!p0 $0x1C01  }
0x1ec: {  	[timem:s3], [sflag:s2] =	dma.local @!p0 [hbm:s0], s1  }
0x1ed: {  	s0 =	simm.s32 @!p0 $0x1  }
0x1ee: {  	_ =	swait.ge @!p0 [sflag:s0], s1  }
0x1ef: {  	s1 =	ssub.s32 @!p0 $0x0, s1;
	[sflag:s0] =	ssyncset.done @!p0 $0x0  }
0x1f0: {  	[sflag:s0] =	ssyncadd.s32 @!p0 s1  }
0x1f1: {  	[bflag:$0x3] =	sbarrier.arrive $0xFFFF  }
0x1f2: {  	_ =	shalt  }

</sc_bundles>
